<compile_context>
chip_gen: v7x
topology: tpu7x:2x2x1
jax: 0.10.2.dev20260603
libtpu: 0.0.44.dev20260713+nightly
codegen_flags: <defaults>
</compile_context>

<pallas_src>
import functools

import jax
import jax.numpy as jnp
from jax import lax
from jax.experimental import pallas as pl
from jax.experimental.pallas import tpu as pltpu
from jax.experimental.pallas import tpu_sc as plsc

N = 50000
E = 800000
HID = 64
HALF = 32
NUM_REL = 2

_NBLK = 2000
_EROWS = 50
_K1 = 400
_EPT = E // 16



def _stage_a_body(x_ref, wn_ref, bn_ref, w1rel_ref, w1root_ref,
                  xwh_ref, nroot_ref):
    n = jnp.maximum(x_ref[...] @ wn_ref[...] + bn_ref[...], 0.0)
    for r in range(NUM_REL):
        xw = n @ w1rel_ref[r]
        xwh_ref[0, r] = xw[:, :HALF]
        xwh_ref[1, r] = xw[:, HALF:]
    nroot_ref[...] = n @ w1root_ref[...]


def _stage_a(x, W_nenc, b_nenc, W1_rel, W1_root):
    grid = N // _NBLK
    return pl.pallas_call(
        _stage_a_body,
        grid=(grid,),
        in_specs=[
            pl.BlockSpec((_NBLK, 3), lambda i: (i, 0)),
            pl.BlockSpec((3, HID), lambda i: (0, 0)),
            pl.BlockSpec((1, HID), lambda i: (0, 0)),
            pl.BlockSpec((NUM_REL, HID, HID), lambda i: (0, 0, 0)),
            pl.BlockSpec((HID, HID), lambda i: (0, 0)),
        ],
        out_specs=[
            pl.BlockSpec((2, NUM_REL, _NBLK, HALF), lambda i: (0, 0, i, 0)),
            pl.BlockSpec((_NBLK, HID), lambda i: (i, 0)),
        ],
        out_shape=[
            jax.ShapeDtypeStruct((2, NUM_REL, N, HALF), jnp.float32),
            jax.ShapeDtypeStruct((N, HID), jnp.float32),
        ],
    )(x, W_nenc, b_nenc.reshape(1, HID), W1_rel, W1_root)


def _stage_b_body(ea_ref, we_ref, be_ref, w1e_ref, src_ref, typ_ref,
                  ewh_ref, gidx_ref):
    e = jnp.maximum(ea_ref[...] @ we_ref[...] + be_ref[...], 0.0)
    ew = e @ w1e_ref[...]
    ewh_ref[0] = ew[:, :HALF]
    ewh_ref[1] = ew[:, HALF:]
    gidx_ref[...] = typ_ref[...] * N + src_ref[...]


def _stage_b(edge_attr, W_eenc, b_eenc, W1_edge, src2d, typ2d):
    eblk = _EROWS * 128
    grid = E // eblk
    return pl.pallas_call(
        _stage_b_body,
        grid=(grid,),
        in_specs=[
            pl.BlockSpec((eblk, 2), lambda i: (i, 0)),
            pl.BlockSpec((2, HALF), lambda i: (0, 0)),
            pl.BlockSpec((1, HALF), lambda i: (0, 0)),
            pl.BlockSpec((HALF, HID), lambda i: (0, 0)),
            pl.BlockSpec((1, _EROWS, 128), lambda i: (i, 0, 0)),
            pl.BlockSpec((1, _EROWS, 128), lambda i: (i, 0, 0)),
        ],
        out_specs=[
            pl.BlockSpec((2, eblk, HALF), lambda i: (0, i, 0)),
            pl.BlockSpec((1, _EROWS, 128), lambda i: (i, 0, 0)),
        ],
        out_shape=[
            jax.ShapeDtypeStruct((2, E, HALF), jnp.float32),
            jax.ShapeDtypeStruct((E // (128 * _EROWS), _EROWS, 128), jnp.int32),
        ],
    )(edge_attr, W_eenc, b_eenc.reshape(1, HALF), W1_edge, src2d, typ2d)


def _stage_d_body(agg_ref, nroot_ref, b1_ref, w2rel_ref, w2root_ref, b2_ref,
                  hwh_ref, out0_ref):
    agg = jnp.concatenate([agg_ref[0], agg_ref[1]], axis=1)
    h = jnp.maximum(agg + nroot_ref[...] + b1_ref[...], 0.0)
    for r in range(NUM_REL):
        hw = h @ w2rel_ref[r]
        hwh_ref[0, r] = hw[:, :HALF]
        hwh_ref[1, r] = hw[:, HALF:]
    out0_ref[...] = h @ w2root_ref[...] + b2_ref[...]


def _stage_d(aggv, nroot, b1, W2_rel, W2_root, b2):
    grid = N // _NBLK
    return pl.pallas_call(
        _stage_d_body,
        grid=(grid,),
        in_specs=[
            pl.BlockSpec((2, _NBLK, HALF), lambda i: (0, i, 0)),
            pl.BlockSpec((_NBLK, HID), lambda i: (i, 0)),
            pl.BlockSpec((1, HID), lambda i: (0, 0)),
            pl.BlockSpec((NUM_REL, HID, HID), lambda i: (0, 0, 0)),
            pl.BlockSpec((HID, HID), lambda i: (0, 0)),
            pl.BlockSpec((1, HID), lambda i: (0, 0)),
        ],
        out_specs=[
            pl.BlockSpec((2, NUM_REL, _NBLK, HALF), lambda i: (0, 0, i, 0)),
            pl.BlockSpec((_NBLK, HID), lambda i: (i, 0)),
        ],
        out_shape=[
            jax.ShapeDtypeStruct((2, NUM_REL, N, HALF), jnp.float32),
            jax.ShapeDtypeStruct((N, HID), jnp.float32),
        ],
    )(aggv, nroot, b1.reshape(1, HID), W2_rel, W2_root, b2.reshape(1, HID))


def _stage_f_body(out0_ref, amax_ref, wv_ref, bv_ref, wa_ref, ba_ref,
                  val_ref, act_ref):
    out = out0_ref[...]
    for r in range(NUM_REL):
        a = jnp.concatenate([amax_ref[0, r], amax_ref[1, r]], axis=1)
        out = out + jnp.where(jnp.isfinite(a), a, 0.0)
    h2 = jnp.maximum(out, 0.0)
    val_ref[...] = h2 @ wv_ref[...] + bv_ref[...]
    act_ref[...] = h2 @ wa_ref[...] + ba_ref[...]


def _stage_f(out0, amaxv, W_v, b_v, W_a, b_a):
    grid = N // _NBLK
    return pl.pallas_call(
        _stage_f_body,
        grid=(grid,),
        in_specs=[
            pl.BlockSpec((_NBLK, HID), lambda i: (i, 0)),
            pl.BlockSpec((2, NUM_REL, _NBLK, HALF), lambda i: (0, 0, i, 0)),
            pl.BlockSpec((HID, 1), lambda i: (0, 0)),
            pl.BlockSpec((1, 1), lambda i: (0, 0)),
            pl.BlockSpec((HID, 5), lambda i: (0, 0)),
            pl.BlockSpec((1, 5), lambda i: (0, 0)),
        ],
        out_specs=[
            pl.BlockSpec((_NBLK, 1), lambda i: (i, 0)),
            pl.BlockSpec((_NBLK, 5), lambda i: (i, 0)),
        ],
        out_shape=[
            jax.ShapeDtypeStruct((N, 1), jnp.float32),
            jax.ShapeDtypeStruct((N, 5), jnp.float32),
        ],
    )(out0, amaxv, W_v, b_v.reshape(1, 1), W_a, b_a.reshape(1, 5))



def _conv1_body(xwf, ewf, gidx, dst, out,
                gbuf, dbuf, xrows, erows, acc, sem):
    c = lax.axis_index("c")
    s = lax.axis_index("s")

    def _z(i, _):
        xrows[i, pl.ds(0, 16)] = jnp.zeros((16,), jnp.float32)
        xrows[i, pl.ds(16, 16)] = jnp.zeros((16,), jnp.float32)
        return _
    lax.fori_loop(0, _K1, _z, 0)
    row0 = s * 3125
    for k in range(7):
        pltpu.sync_copy(xrows, acc.at[pl.ds(row0 + k * _K1, _K1)])
    pltpu.sync_copy(xrows.at[pl.ds(0, 325)], acc.at[pl.ds(row0 + 2800, 325)])
    plsc.subcore_barrier()

    base = s * _EPT
    coff = c * 2 * N

    def _chunk(j, _):
        off = base + j * _K1
        pltpu.sync_copy(gidx.at[pl.ds(off, _K1)], gbuf)
        pltpu.sync_copy(dst.at[pl.ds(off, _K1)], dbuf)

        def _adj(k, _):
            gbuf[pl.ds(k * 16, 16)] = gbuf[pl.ds(k * 16, 16)] + coff
            return _
        lax.fori_loop(0, _K1 // 16, _adj, 0)
        pltpu.async_copy(xwf.at[gbuf], xrows, sem).wait()
        pltpu.sync_copy(ewf.at[pl.ds(c * E + off, _K1)], erows)
        pltpu.sync_copy(xrows, acc.at[dbuf], add=True)
        pltpu.sync_copy(erows, acc.at[dbuf], add=True)
        return _

    lax.fori_loop(0, _EPT // _K1, _chunk, 0)
    plsc.subcore_barrier()
    pltpu.sync_copy(acc.at[pl.ds(row0, 3125)],
                    out.at[pl.ds(c * N + row0, 3125)])


def _conv1(xwf, ewf, gidx, dst):
    mesh = plsc.VectorSubcoreMesh(core_axis_name="c", subcore_axis_name="s")
    return pl.kernel(
        _conv1_body,
        out_type=jax.ShapeDtypeStruct((2 * N, HALF), jnp.float32),
        mesh=mesh,
        compiler_params=pltpu.CompilerParams(use_tc_tiling_on_sc=False),
        scratch_types=[
            pltpu.VMEM((_K1,), jnp.int32),
            pltpu.VMEM((_K1,), jnp.int32),
            pltpu.VMEM((_K1, HALF), jnp.float32),
            pltpu.VMEM((_K1, HALF), jnp.float32),
            pltpu.VMEM_SHARED((N, HALF), jnp.float32),
            pltpu.SemaphoreType.DMA,
        ],
    )(xwf, ewf, gidx, dst)



_CK = 2000
_RING = 3072
_BATCH = 512
_CPT = 3125
_ACCR = 3136
_DUMP = 3125


def _conv2_body(hwf, gidx, dst, out, gch, dch, rgi, rdl, brows, acc, sem):
    c = lax.axis_index("c")
    s = lax.axis_index("s")
    lo = s * _CPT
    coff = c * NUM_REL * N

    for r in range(NUM_REL):
        glo = r * N

        def _init(i, _):
            acc[i, pl.ds(0, 16)] = jnp.full((16,), -jnp.inf, jnp.float32)
            acc[i, pl.ds(16, 16)] = jnp.full((16,), -jnp.inf, jnp.float32)
            return _
        lax.fori_loop(0, _ACCR, _init, 0)

        def _process_batch(bpos):
            pltpu.async_copy(hwf.at[rgi.at[pl.ds(bpos, _BATCH)]], brows, sem).wait()

            def _rmw(g, _):
                dlv = rdl[pl.ds(bpos + g * 16, 16)]
                for lane in range(16):
                    d = dlv[lane]
                    row = g * 16 + lane
                    a0 = acc[d, pl.ds(0, 16)]
                    acc[d, pl.ds(0, 16)] = jnp.maximum(a0, brows[row, pl.ds(0, 16)])
                    a1 = acc[d, pl.ds(16, 16)]
                    acc[d, pl.ds(16, 16)] = jnp.maximum(a1, brows[row, pl.ds(16, 16)])
                return _
            lax.fori_loop(0, _BATCH // 16, _rmw, 0)

        def _scan(j, wpos):
            pltpu.sync_copy(gidx.at[pl.ds(j * _CK, _CK)], gch)
            pltpu.sync_copy(dst.at[pl.ds(j * _CK, _CK)], dch)

            def _vec(k, wp):
                gv = gch[pl.ds(k * 16, 16)]
                dv = dch[pl.ds(k * 16, 16)]
                m = (dv >= lo) & (dv < lo + _CPT) & (gv >= glo) & (gv < glo + N)
                cnt = plsc.cumsum(m.astype(jnp.int32))
                pos = wp + cnt - 1
                plsc.store_scatter(rgi, [pos], gv + coff, mask=m)
                plsc.store_scatter(rdl, [pos], dv - lo, mask=m)
                return wp + cnt[15]
            wpos = lax.fori_loop(0, _CK // 16, _vec, wpos)

            def _more(bp):
                return wpos - bp >= _BATCH

            def _drain(bp):
                _process_batch(pl.multiple_of(bp, _BATCH))
                return bp + _BATCH
            bpos = pl.multiple_of(lax.while_loop(_more, _drain, 0), 16)

            def _mv(t, _):
                rgi[pl.ds(t * 16, 16)] = rgi[pl.ds(bpos + t * 16, 16)]
                rdl[pl.ds(t * 16, 16)] = rdl[pl.ds(bpos + t * 16, 16)]
                return _
            lax.fori_loop(0, _BATCH // 16, _mv, 0)
            return wpos - bpos

        wpos = lax.fori_loop(0, E // _CK, _scan, 0)

        def _pad(t, _):
            rgi[pl.ds(wpos + t * 16, 16)] = jnp.full((16,), coff, jnp.int32)
            rdl[pl.ds(wpos + t * 16, 16)] = jnp.full((16,), _DUMP, jnp.int32)
            return _
        lax.fori_loop(0, _BATCH // 16, _pad, 0)
        _process_batch(0)

        pltpu.sync_copy(acc.at[pl.ds(0, _CPT)],
                        out.at[pl.ds(coff + glo + lo, _CPT)])


def _conv2(hwf, gidx, dst):
    mesh = plsc.VectorSubcoreMesh(core_axis_name="c", subcore_axis_name="s")
    return pl.kernel(
        _conv2_body,
        out_type=jax.ShapeDtypeStruct((2 * NUM_REL * N, HALF), jnp.float32),
        mesh=mesh,
        compiler_params=pltpu.CompilerParams(use_tc_tiling_on_sc=False),
        scratch_types=[
            pltpu.VMEM((_CK,), jnp.int32),
            pltpu.VMEM((_CK,), jnp.int32),
            pltpu.VMEM((_RING,), jnp.int32),
            pltpu.VMEM((_RING,), jnp.int32),
            pltpu.VMEM((_BATCH, HALF), jnp.float32),
            pltpu.VMEM((_ACCR, HALF), jnp.float32),
            pltpu.SemaphoreType.DMA,
        ],
    )(hwf, gidx, dst)



def kernel(x, edge_index, edge_attr, edge_type, W_nenc, b_nenc, W_eenc, b_eenc,
           W1_rel, W1_root, W1_edge, b1, W2_rel, W2_root, b2, W_v, b_v, W_a, b_a):
    src = edge_index[0]
    dst = edge_index[1]
    src2d = src.reshape(E // (128 * _EROWS), _EROWS, 128)
    typ2d = edge_type.reshape(E // (128 * _EROWS), _EROWS, 128)

    xwh, nroot = _stage_a(x, W_nenc, b_nenc, W1_rel, W1_root)
    ewh, gidx2d = _stage_b(edge_attr, W_eenc, b_eenc, W1_edge, src2d, typ2d)
    xwf = xwh.reshape(2 * NUM_REL * N, HALF)
    ewf = ewh.reshape(2 * E, HALF)
    gidx = gidx2d.reshape(E)

    aggf = _conv1(xwf, ewf, gidx, dst)
    aggv = aggf.reshape(2, N, HALF)

    hwh, out0 = _stage_d(aggv, nroot, b1, W2_rel, W2_root, b2)

    hw_full = jnp.concatenate([hwh[0], hwh[1]], axis=-1).reshape(NUM_REL * N, HID)
    msg2 = hw_full[gidx]
    seg = edge_type * N + dst
    a2 = jax.ops.segment_max(msg2, seg, num_segments=NUM_REL * N)
    amaxv = a2.reshape(NUM_REL, N, 2, HALF).transpose(2, 0, 1, 3)

    value, action = _stage_f(out0, amaxv, W_v, b_v, W_a, b_a)
    return (value, action)

# --- scband reference (transcript-rebuilt; emitter-appended) ---
"""Pipeline reference for scband-dqn-31310311587959 (READ-ONLY COPY).

The authoritative reference and input builder live on the scoring server;
editing this copy changes nothing except your own understanding.
"""

import jax, jax.numpy as jnp
import numpy as np

N_NODES = 50000
N_EDGES = 800000
NODE_DIM = 3
EDGE_DIM = 2
ACTION_DIM = 5
HID = 64
EHID = 32
NUM_REL = 2


def setup_inputs(seed: int = 0):
    key = jax.random.key(seed)
    ks = jax.random.split(key, 20)
    inp = {}
    inp['x'] = jax.random.normal(ks[0], (N_NODES, NODE_DIM), dtype=jnp.float32)
    inp['edge_index'] = jax.random.randint(ks[1], (2, N_EDGES), 0, N_NODES, dtype=jnp.int32)
    inp['edge_attr'] = jax.random.normal(ks[2], (N_EDGES, EDGE_DIM), dtype=jnp.float32)
    inp['edge_type'] = jax.random.randint(ks[3], (N_EDGES,), 0, NUM_REL, dtype=jnp.int32)
    # parameters
    inp['W_nenc'] = jax.random.normal(ks[4], (NODE_DIM, HID), dtype=jnp.float32) / np.sqrt(NODE_DIM)
    inp['b_nenc'] = jnp.zeros((HID,), dtype=jnp.float32)
    inp['W_eenc'] = jax.random.normal(ks[5], (EDGE_DIM, EHID), dtype=jnp.float32) / np.sqrt(EDGE_DIM)
    inp['b_eenc'] = jnp.zeros((EHID,), dtype=jnp.float32)
    inp['W1_rel'] = jax.random.normal(ks[6], (NUM_REL, HID, HID), dtype=jnp.float32) / np.sqrt(HID)
    inp['W1_root'] = jax.random.normal(ks[7], (HID, HID), dtype=jnp.float32) / np.sqrt(HID)
    inp['W1_edge'] = jax.random.normal(ks[8], (EHID, HID), dtype=jnp.float32) / np.sqrt(EHID)
    inp['b1'] = jnp.zeros((HID,), dtype=jnp.float32)
    inp['W2_rel'] = jax.random.normal(ks[9], (NUM_REL, HID, HID), dtype=jnp.float32) / np.sqrt(HID)
    inp['W2_root'] = jax.random.normal(ks[10], (HID, HID), dtype=jnp.float32) / np.sqrt(HID)
    inp['b2'] = jnp.zeros((HID,), dtype=jnp.float32)
    inp['W_v'] = jax.random.normal(ks[11], (HID, 1), dtype=jnp.float32) / np.sqrt(HID)
    inp['b_v'] = jnp.zeros((1,), dtype=jnp.float32)
    inp['W_a'] = jax.random.normal(ks[12], (HID, ACTION_DIM), dtype=jnp.float32) / np.sqrt(HID)
    inp['b_a'] = jnp.zeros((ACTION_DIM,), dtype=jnp.float32)
    return inp


def reference(x, edge_index, edge_attr, edge_type, W_nenc, b_nenc, W_eenc, b_eenc, W1_rel, W1_root, W1_edge, b1, W2_rel, W2_root, b2, W_v, b_v, W_a, b_a):
    src = edge_index[0]
    dst = edge_index[1]
    num_nodes = x.shape[0]
    # node / edge encoders
    n = jax.nn.relu(x @ W_nenc + b_nenc)
    e = jax.nn.relu(edge_attr @ W_eenc + b_eenc)
    # conv1: relational message passing with edge features, sum aggregation
    xw = jnp.einsum('nf,rfo->rno', n, W1_rel)  # [R, N, H]
    msg = xw[edge_type, src] + e @ W1_edge     # [E, H] gather
    agg = jax.ops.segment_sum(msg, dst, num_segments=num_nodes)
    h = jax.nn.relu(agg + n @ W1_root + b1)
    # conv2: RGCNConv with aggr='max' (per-relation max, summed over relations)
    out = h @ W2_root + b2
    for r in range(NUM_REL):
        hw = h @ W2_rel[r]
        m = hw[src]
        m = jnp.where((edge_type == r)[:, None], m, -jnp.inf)
        a = jax.ops.segment_max(m, dst, num_segments=num_nodes)
        a = jnp.where(jnp.isfinite(a), a, 0.0)
        out = out + a
    h2 = jax.nn.relu(out)
    value = h2 @ W_v + b_v
    action = h2 @ W_a + b_a
    return (value, action)

if __name__ == "__main__":
    import jax
    _d = setup_inputs()
    print(jax.jit(kernel)(*tuple(_d.values())))

</pallas_src>

<mosaic_0001>
#map = affine_map<(d0, d1) -> (0, 0)>
#map1 = affine_map<(d0, d1) -> (0)>
module attributes {stable_mosaic.version = 14 : i64} {
  func.func @_conv1_body(%arg0: i32, %arg1: i32, %arg2: memref<200000x32xf32, #tpu.memory_space<hbm>>, %arg3: memref<1600000x32xf32, #tpu.memory_space<hbm>>, %arg4: memref<800000xi32, #tpu.memory_space<hbm>>, %arg5: memref<800000xi32, #tpu.memory_space<hbm>>, %arg6: memref<100000x32xf32, #tpu.memory_space<hbm>>, %arg7: memref<400xi32, #tpu.memory_space<vmem>>, %arg8: memref<400xi32, #tpu.memory_space<vmem>>, %arg9: memref<400x32xf32, #tpu.memory_space<vmem>>, %arg10: memref<400x32xf32, #tpu.memory_space<vmem>>, %arg11: memref<50000x32xf32, #tpu.memory_space<vmem_shared>>, %arg12: memref<!tpu.dma_semaphore, #tpu.memory_space<semaphore_mem>>) attributes {dimension_semantics = [#tpu.dimension_semantics<core_parallel>, #tpu.dimension_semantics<subcore_parallel>], iteration_bounds = array<i64: 2, 16>, scalar_prefetch = 0 : i64, scratch_operands = 6 : i64, tpu.core_type = #tpu.core_type<sc_vector_subcore>, window_params = [{transform_indices = #map}, {transform_indices = #map}, {transform_indices = #map1}, {transform_indices = #map1}, {transform_indices = #map}]} {
    %scan3A = arith.constant 0 : i32
    %scan3A_0 = arith.constant 0 : i32
    %scan3A_1 = arith.constant 400 : i32
    %scan3A_2 = arith.addi %scan3A_0, %scan3A_1 : i32
    %scan3A_3 = arith.constant 1 : i32
    scf.for %scan3A_37 = %scan3A_0 to %scan3A_2 step %scan3A_3  : i32 {
      %broadcast_in_dim3A = arith.constant 0.000000e+00 : f32
      %broadcast_in_dim3A_38 = vector.broadcast %broadcast_in_dim3A : f32 to vector<16xf32>
      %swap3A = arith.index_cast %scan3A_37 : i32 to index
      %swap3A_39 = arith.constant 0 : index
      %swap3A_40 = tpu.vector_load %arg9[%swap3A, %swap3A_39] {strides = array<i32>} : memref<400x32xf32, #tpu.memory_space<vmem>>, vector<1x16xf32>,
      %swap3A_41 = vector.shape_cast %swap3A_40 : vector<1x16xf32> to vector<16xf32>
      %swap3A_42 = vector.shape_cast %broadcast_in_dim3A_38 : vector<16xf32> to vector<1x16xf32>
      tpu.vector_store %arg9[%swap3A, %swap3A_39], %swap3A_42 {strides = array<i32>} : memref<400x32xf32, #tpu.memory_space<vmem>>, vector<1x16xf32>,
      %broadcast_in_dim3A_43 = arith.constant 0.000000e+00 : f32
      %broadcast_in_dim3A_44 = vector.broadcast %broadcast_in_dim3A_43 : f32 to vector<16xf32>
      %swap3A_45 = arith.index_cast %scan3A_37 : i32 to index
      %swap3A_46 = arith.constant 16 : index
      %swap3A_47 = tpu.vector_load %arg9[%swap3A_45, %swap3A_46] {strides = array<i32>} : memref<400x32xf32, #tpu.memory_space<vmem>>, vector<1x16xf32>,
      %swap3A_48 = vector.shape_cast %swap3A_47 : vector<1x16xf32> to vector<16xf32>
      %swap3A_49 = vector.shape_cast %broadcast_in_dim3A_44 : vector<16xf32> to vector<1x16xf32>
      tpu.vector_store %arg9[%swap3A_45, %swap3A_46], %swap3A_49 {strides = array<i32>} : memref<400x32xf32, #tpu.memory_space<vmem>>, vector<1x16xf32>,
    }
    %scan3A_4 = arith.constant 400 : i32
    %mul3A = arith.constant 3125 : i32
    %mul3A_5 = arith.muli %arg1, %mul3A : i32
    %add3A = arith.constant 0 : i32
    %add3A_6 = arith.addi %mul3A_5, %add3A : i32
    "tpu.region"() ({
      %run_scoped3A = tpu.sem_alloc : memref<!tpu.dma_semaphore, #tpu.memory_space<semaphore_mem>>
      %dma_start3A = arith.constant 0 : i32
      %dma_start3A_37 = tpu.memref_slice %arg11[%add3A_6, %dma_start3A] : memref<50000x32xf32, #tpu.memory_space<vmem_shared>> -> memref<400x32xf32, #tpu.memory_space<vmem_shared>>
      %dma_start3A_38 = arith.constant 0 : i32
      %dma_start3A_39 = tpu.memref_slice %arg11[%add3A_6, %dma_start3A_38] : memref<50000x32xf32, #tpu.memory_space<vmem_shared>> -> memref<400x32xf32, #tpu.memory_space<vmem_shared>>
      tpu.enqueue_dma source(%arg9 : memref<400x32xf32, #tpu.memory_space<vmem>>) target(%dma_start3A_39 : memref<400x32xf32, #tpu.memory_space<vmem_shared>>) target_semaphore(%run_scoped3A : memref<!tpu.dma_semaphore, #tpu.memory_space<semaphore_mem>>)
      %dma_wait3A = arith.constant 0 : i32
      %dma_wait3A_40 = tpu.memref_slice %arg11[%add3A_6, %dma_wait3A] : memref<50000x32xf32, #tpu.memory_space<vmem_shared>> -> memref<400x32xf32, #tpu.memory_space<vmem_shared>>
      %dma_wait3A_41 = arith.constant 0 : i32
      %dma_wait3A_42 = tpu.memref_slice %arg11[%add3A_6, %dma_wait3A_41] : memref<50000x32xf32, #tpu.memory_space<vmem_shared>> -> memref<400x32xf32, #tpu.memory_space<vmem_shared>>
      tpu.wait_dma2 semaphore(%run_scoped3A : memref<!tpu.dma_semaphore, #tpu.memory_space<semaphore_mem>>) src(%arg9 : memref<400x32xf32, #tpu.memory_space<vmem>>) dst(%dma_wait3A_42 : memref<400x32xf32, #tpu.memory_space<vmem_shared>>)
      tpu.yield
    }) : () -> ()
    %add3A_7 = arith.constant 400 : i32
    %add3A_8 = arith.addi %mul3A_5, %add3A_7 : i32
    "tpu.region"() ({
      %run_scoped3A = tpu.sem_alloc : memref<!tpu.dma_semaphore, #tpu.memory_space<semaphore_mem>>
      %dma_start3A = arith.constant 0 : i32
      %dma_start3A_37 = tpu.memref_slice %arg11[%add3A_8, %dma_start3A] : memref<50000x32xf32, #tpu.memory_space<vmem_shared>> -> memref<400x32xf32, #tpu.memory_space<vmem_shared>>
      %dma_start3A_38 = arith.constant 0 : i32
      %dma_start3A_39 = tpu.memref_slice %arg11[%add3A_8, %dma_start3A_38] : memref<50000x32xf32, #tpu.memory_space<vmem_shared>> -> memref<400x32xf32, #tpu.memory_space<vmem_shared>>
      tpu.enqueue_dma source(%arg9 : memref<400x32xf32, #tpu.memory_space<vmem>>) target(%dma_start3A_39 : memref<400x32xf32, #tpu.memory_space<vmem_shared>>) target_semaphore(%run_scoped3A : memref<!tpu.dma_semaphore, #tpu.memory_space<semaphore_mem>>)
      %dma_wait3A = arith.constant 0 : i32
      %dma_wait3A_40 = tpu.memref_slice %arg11[%add3A_8, %dma_wait3A] : memref<50000x32xf32, #tpu.memory_space<vmem_shared>> -> memref<400x32xf32, #tpu.memory_space<vmem_shared>>
      %dma_wait3A_41 = arith.constant 0 : i32
      %dma_wait3A_42 = tpu.memref_slice %arg11[%add3A_8, %dma_wait3A_41] : memref<50000x32xf32, #tpu.memory_space<vmem_shared>> -> memref<400x32xf32, #tpu.memory_space<vmem_shared>>
      tpu.wait_dma2 semaphore(%run_scoped3A : memref<!tpu.dma_semaphore, #tpu.memory_space<semaphore_mem>>) src(%arg9 : memref<400x32xf32, #tpu.memory_space<vmem>>) dst(%dma_wait3A_42 : memref<400x32xf32, #tpu.memory_space<vmem_shared>>)
      tpu.yield
    }) : () -> ()
    %add3A_9 = arith.constant 800 : i32
    %add3A_10 = arith.addi %mul3A_5, %add3A_9 : i32
    "tpu.region"() ({
      %run_scoped3A = tpu.sem_alloc : memref<!tpu.dma_semaphore, #tpu.memory_space<semaphore_mem>>
      %dma_start3A = arith.constant 0 : i32
      %dma_start3A_37 = tpu.memref_slice %arg11[%add3A_10, %dma_start3A] : memref<50000x32xf32, #tpu.memory_space<vmem_shared>> -> memref<400x32xf32, #tpu.memory_space<vmem_shared>>
      %dma_start3A_38 = arith.constant 0 : i32
      %dma_start3A_39 = tpu.memref_slice %arg11[%add3A_10, %dma_start3A_38] : memref<50000x32xf32, #tpu.memory_space<vmem_shared>> -> memref<400x32xf32, #tpu.memory_space<vmem_shared>>
      tpu.enqueue_dma source(%arg9 : memref<400x32xf32, #tpu.memory_space<vmem>>) target(%dma_start3A_39 : memref<400x32xf32, #tpu.memory_space<vmem_shared>>) target_semaphore(%run_scoped3A : memref<!tpu.dma_semaphore, #tpu.memory_space<semaphore_mem>>)
      %dma_wait3A = arith.constant 0 : i32
      %dma_wait3A_40 = tpu.memref_slice %arg11[%add3A_10, %dma_wait3A] : memref<50000x32xf32, #tpu.memory_space<vmem_shared>> -> memref<400x32xf32, #tpu.memory_space<vmem_shared>>
      %dma_wait3A_41 = arith.constant 0 : i32
      %dma_wait3A_42 = tpu.memref_slice %arg11[%add3A_10, %dma_wait3A_41] : memref<50000x32xf32, #tpu.memory_space<vmem_shared>> -> memref<400x32xf32, #tpu.memory_space<vmem_shared>>
      tpu.wait_dma2 semaphore(%run_scoped3A : memref<!tpu.dma_semaphore, #tpu.memory_space<semaphore_mem>>) src(%arg9 : memref<400x32xf32, #tpu.memory_space<vmem>>) dst(%dma_wait3A_42 : memref<400x32xf32, #tpu.memory_space<vmem_shared>>)
      tpu.yield
    }) : () -> ()
    %add3A_11 = arith.constant 1200 : i32
    %add3A_12 = arith.addi %mul3A_5, %add3A_11 : i32
    "tpu.region"() ({
      %run_scoped3A = tpu.sem_alloc : memref<!tpu.dma_semaphore, #tpu.memory_space<semaphore_mem>>
      %dma_start3A = arith.constant 0 : i32
      %dma_start3A_37 = tpu.memref_slice %arg11[%add3A_12, %dma_start3A] : memref<50000x32xf32, #tpu.memory_space<vmem_shared>> -> memref<400x32xf32, #tpu.memory_space<vmem_shared>>
      %dma_start3A_38 = arith.constant 0 : i32
      %dma_start3A_39 = tpu.memref_slice %arg11[%add3A_12, %dma_start3A_38] : memref<50000x32xf32, #tpu.memory_space<vmem_shared>> -> memref<400x32xf32, #tpu.memory_space<vmem_shared>>
      tpu.enqueue_dma source(%arg9 : memref<400x32xf32, #tpu.memory_space<vmem>>) target(%dma_start3A_39 : memref<400x32xf32, #tpu.memory_space<vmem_shared>>) target_semaphore(%run_scoped3A : memref<!tpu.dma_semaphore, #tpu.memory_space<semaphore_mem>>)
      %dma_wait3A = arith.constant 0 : i32
      %dma_wait3A_40 = tpu.memref_slice %arg11[%add3A_12, %dma_wait3A] : memref<50000x32xf32, #tpu.memory_space<vmem_shared>> -> memref<400x32xf32, #tpu.memory_space<vmem_shared>>
      %dma_wait3A_41 = arith.constant 0 : i32
      %dma_wait3A_42 = tpu.memref_slice %arg11[%add3A_12, %dma_wait3A_41] : memref<50000x32xf32, #tpu.memory_space<vmem_shared>> -> memref<400x32xf32, #tpu.memory_space<vmem_shared>>
      tpu.wait_dma2 semaphore(%run_scoped3A : memref<!tpu.dma_semaphore, #tpu.memory_space<semaphore_mem>>) src(%arg9 : memref<400x32xf32, #tpu.memory_space<vmem>>) dst(%dma_wait3A_42 : memref<400x32xf32, #tpu.memory_space<vmem_shared>>)
      tpu.yield
    }) : () -> ()
    %add3A_13 = arith.constant 1600 : i32
    %add3A_14 = arith.addi %mul3A_5, %add3A_13 : i32
    "tpu.region"() ({
      %run_scoped3A = tpu.sem_alloc : memref<!tpu.dma_semaphore, #tpu.memory_space<semaphore_mem>>
      %dma_start3A = arith.constant 0 : i32
      %dma_start3A_37 = tpu.memref_slice %arg11[%add3A_14, %dma_start3A] : memref<50000x32xf32, #tpu.memory_space<vmem_shared>> -> memref<400x32xf32, #tpu.memory_space<vmem_shared>>
      %dma_start3A_38 = arith.constant 0 : i32
      %dma_start3A_39 = tpu.memref_slice %arg11[%add3A_14, %dma_start3A_38] : memref<50000x32xf32, #tpu.memory_space<vmem_shared>> -> memref<400x32xf32, #tpu.memory_space<vmem_shared>>
      tpu.enqueue_dma source(%arg9 : memref<400x32xf32, #tpu.memory_space<vmem>>) target(%dma_start3A_39 : memref<400x32xf32, #tpu.memory_space<vmem_shared>>) target_semaphore(%run_scoped3A : memref<!tpu.dma_semaphore, #tpu.memory_space<semaphore_mem>>)
      %dma_wait3A = arith.constant 0 : i32
      %dma_wait3A_40 = tpu.memref_slice %arg11[%add3A_14, %dma_wait3A] : memref<50000x32xf32, #tpu.memory_space<vmem_shared>> -> memref<400x32xf32, #tpu.memory_space<vmem_shared>>
      %dma_wait3A_41 = arith.constant 0 : i32
      %dma_wait3A_42 = tpu.memref_slice %arg11[%add3A_14, %dma_wait3A_41] : memref<50000x32xf32, #tpu.memory_space<vmem_shared>> -> memref<400x32xf32, #tpu.memory_space<vmem_shared>>
      tpu.wait_dma2 semaphore(%run_scoped3A : memref<!tpu.dma_semaphore, #tpu.memory_space<semaphore_mem>>) src(%arg9 : memref<400x32xf32, #tpu.memory_space<vmem>>) dst(%dma_wait3A_42 : memref<400x32xf32, #tpu.memory_space<vmem_shared>>)
      tpu.yield
    }) : () -> ()
    %add3A_15 = arith.constant 2000 : i32
    %add3A_16 = arith.addi %mul3A_5, %add3A_15 : i32
    "tpu.region"() ({
      %run_scoped3A = tpu.sem_alloc : memref<!tpu.dma_semaphore, #tpu.memory_space<semaphore_mem>>
      %dma_start3A = arith.constant 0 : i32
      %dma_start3A_37 = tpu.memref_slice %arg11[%add3A_16, %dma_start3A] : memref<50000x32xf32, #tpu.memory_space<vmem_shared>> -> memref<400x32xf32, #tpu.memory_space<vmem_shared>>
      %dma_start3A_38 = arith.constant 0 : i32
      %dma_start3A_39 = tpu.memref_slice %arg11[%add3A_16, %dma_start3A_38] : memref<50000x32xf32, #tpu.memory_space<vmem_shared>> -> memref<400x32xf32, #tpu.memory_space<vmem_shared>>
      tpu.enqueue_dma source(%arg9 : memref<400x32xf32, #tpu.memory_space<vmem>>) target(%dma_start3A_39 : memref<400x32xf32, #tpu.memory_space<vmem_shared>>) target_semaphore(%run_scoped3A : memref<!tpu.dma_semaphore, #tpu.memory_space<semaphore_mem>>)
      %dma_wait3A = arith.constant 0 : i32
      %dma_wait3A_40 = tpu.memref_slice %arg11[%add3A_16, %dma_wait3A] : memref<50000x32xf32, #tpu.memory_space<vmem_shared>> -> memref<400x32xf32, #tpu.memory_space<vmem_shared>>
      %dma_wait3A_41 = arith.constant 0 : i32
      %dma_wait3A_42 = tpu.memref_slice %arg11[%add3A_16, %dma_wait3A_41] : memref<50000x32xf32, #tpu.memory_space<vmem_shared>> -> memref<400x32xf32, #tpu.memory_space<vmem_shared>>
      tpu.wait_dma2 semaphore(%run_scoped3A : memref<!tpu.dma_semaphore, #tpu.memory_space<semaphore_mem>>) src(%arg9 : memref<400x32xf32, #tpu.memory_space<vmem>>) dst(%dma_wait3A_42 : memref<400x32xf32, #tpu.memory_space<vmem_shared>>)
      tpu.yield
    }) : () -> ()
    %add3A_17 = arith.constant 2400 : i32
    %add3A_18 = arith.addi %mul3A_5, %add3A_17 : i32
    "tpu.region"() ({
      %run_scoped3A = tpu.sem_alloc : memref<!tpu.dma_semaphore, #tpu.memory_space<semaphore_mem>>
      %dma_start3A = arith.constant 0 : i32
      %dma_start3A_37 = tpu.memref_slice %arg11[%add3A_18, %dma_start3A] : memref<50000x32xf32, #tpu.memory_space<vmem_shared>> -> memref<400x32xf32, #tpu.memory_space<vmem_shared>>
      %dma_start3A_38 = arith.constant 0 : i32
      %dma_start3A_39 = tpu.memref_slice %arg11[%add3A_18, %dma_start3A_38] : memref<50000x32xf32, #tpu.memory_space<vmem_shared>> -> memref<400x32xf32, #tpu.memory_space<vmem_shared>>
      tpu.enqueue_dma source(%arg9 : memref<400x32xf32, #tpu.memory_space<vmem>>) target(%dma_start3A_39 : memref<400x32xf32, #tpu.memory_space<vmem_shared>>) target_semaphore(%run_scoped3A : memref<!tpu.dma_semaphore, #tpu.memory_space<semaphore_mem>>)
      %dma_wait3A = arith.constant 0 : i32
      %dma_wait3A_40 = tpu.memref_slice %arg11[%add3A_18, %dma_wait3A] : memref<50000x32xf32, #tpu.memory_space<vmem_shared>> -> memref<400x32xf32, #tpu.memory_space<vmem_shared>>
      %dma_wait3A_41 = arith.constant 0 : i32
      %dma_wait3A_42 = tpu.memref_slice %arg11[%add3A_18, %dma_wait3A_41] : memref<50000x32xf32, #tpu.memory_space<vmem_shared>> -> memref<400x32xf32, #tpu.memory_space<vmem_shared>>
      tpu.wait_dma2 semaphore(%run_scoped3A : memref<!tpu.dma_semaphore, #tpu.memory_space<semaphore_mem>>) src(%arg9 : memref<400x32xf32, #tpu.memory_space<vmem>>) dst(%dma_wait3A_42 : memref<400x32xf32, #tpu.memory_space<vmem_shared>>)
      tpu.yield
    }) : () -> ()
    %add3A_19 = arith.constant 2800 : i32
    %add3A_20 = arith.addi %mul3A_5, %add3A_19 : i32
    "tpu.region"() ({
      %run_scoped3A = tpu.sem_alloc : memref<!tpu.dma_semaphore, #tpu.memory_space<semaphore_mem>>
      %dma_start3A = arith.constant 0 : i32
      %dma_start3A_37 = arith.constant 0 : i32
      %dma_start3A_38 = tpu.memref_slice %arg9[%dma_start3A, %dma_start3A_37] : memref<400x32xf32, #tpu.memory_space<vmem>> -> memref<325x32xf32, #tpu.memory_space<vmem>>
      %dma_start3A_39 = arith.constant 0 : i32
      %dma_start3A_40 = tpu.memref_slice %arg11[%add3A_20, %dma_start3A_39] : memref<50000x32xf32, #tpu.memory_space<vmem_shared>> -> memref<325x32xf32, #tpu.memory_space<vmem_shared>>
      %dma_start3A_41 = arith.constant 0 : i32
      %dma_start3A_42 = tpu.memref_slice %arg11[%add3A_20, %dma_start3A_41] : memref<50000x32xf32, #tpu.memory_space<vmem_shared>> -> memref<325x32xf32, #tpu.memory_space<vmem_shared>>
      %dma_start3A_43 = arith.constant 0 : i32
      %dma_start3A_44 = arith.constant 0 : i32
      %dma_start3A_45 = tpu.memref_slice %arg9[%dma_start3A_43, %dma_start3A_44] : memref<400x32xf32, #tpu.memory_space<vmem>> -> memref<325x32xf32, #tpu.memory_space<vmem>>
      tpu.enqueue_dma source(%dma_start3A_45 : memref<325x32xf32, #tpu.memory_space<vmem>>) target(%dma_start3A_42 : memref<325x32xf32, #tpu.memory_space<vmem_shared>>) target_semaphore(%run_scoped3A : memref<!tpu.dma_semaphore, #tpu.memory_space<semaphore_mem>>)
      %dma_wait3A = arith.constant 0 : i32
      %dma_wait3A_46 = arith.constant 0 : i32
      %dma_wait3A_47 = tpu.memref_slice %arg9[%dma_wait3A, %dma_wait3A_46] : memref<400x32xf32, #tpu.memory_space<vmem>> -> memref<325x32xf32, #tpu.memory_space<vmem>>
      %dma_wait3A_48 = arith.constant 0 : i32
      %dma_wait3A_49 = tpu.memref_slice %arg11[%add3A_20, %dma_wait3A_48] : memref<50000x32xf32, #tpu.memory_space<vmem_shared>> -> memref<325x32xf32, #tpu.memory_space<vmem_shared>>
      %dma_wait3A_50 = arith.constant 0 : i32
      %dma_wait3A_51 = tpu.memref_slice %arg11[%add3A_20, %dma_wait3A_50] : memref<50000x32xf32, #tpu.memory_space<vmem_shared>> -> memref<325x32xf32, #tpu.memory_space<vmem_shared>>
      %dma_wait3A_52 = arith.constant 0 : i32
      %dma_wait3A_53 = arith.constant 0 : i32
      %dma_wait3A_54 = tpu.memref_slice %arg9[%dma_wait3A_52, %dma_wait3A_53] : memref<400x32xf32, #tpu.memory_space<vmem>> -> memref<325x32xf32, #tpu.memory_space<vmem>>
      tpu.wait_dma2 semaphore(%run_scoped3A : memref<!tpu.dma_semaphore, #tpu.memory_space<semaphore_mem>>) src(%dma_wait3A_54 : memref<325x32xf32, #tpu.memory_space<vmem>>) dst(%dma_wait3A_51 : memref<325x32xf32, #tpu.memory_space<vmem_shared>>)
      tpu.yield
    }) : () -> ()
    %barrier3A = arith.constant 0 : index
    tpu.barrier barrier_id(%barrier3A)
    %mul3A_21 = arith.constant 50000 : i32
    %mul3A_22 = arith.muli %arg1, %mul3A_21 : i32
    %mul3A_23 = arith.constant 2 : i32
    %mul3A_24 = arith.muli %arg0, %mul3A_23 : i32
    %mul3A_25 = arith.constant 50000 : i32
    %mul3A_26 = arith.muli %mul3A_24, %mul3A_25 : i32
    %scan3A_27 = arith.constant 0 : i32
    %scan3A_28 = arith.constant 0 : i32
    %scan3A_29 = arith.constant 125 : i32
    %scan3A_30 = arith.addi %scan3A_28, %scan3A_29 : i32
    %scan3A_31 = arith.constant 1 : i32
    scf.for %scan3A_37 = %scan3A_28 to %scan3A_30 step %scan3A_31  : i32 {
      %mul3A_38 = arith.constant 400 : i32
      %mul3A_39 = arith.muli %scan3A_37, %mul3A_38 : i32
      %add3A_40 = arith.addi %mul3A_22, %mul3A_39 : i32
      "tpu.region"() ({
        %run_scoped3A = tpu.sem_alloc : memref<!tpu.dma_semaphore, #tpu.memory_space<semaphore_mem>>
        %dma_start3A_54 = tpu.memref_slice %arg4[%add3A_40] : memref<800000xi32, #tpu.memory_space<hbm>> -> memref<400xi32, #tpu.memory_space<hbm>>
        %dma_start3A_55 = tpu.memref_slice %arg4[%add3A_40] : memref<800000xi32, #tpu.memory_space<hbm>> -> memref<400xi32, #tpu.memory_space<hbm>>
        tpu.enqueue_dma source(%dma_start3A_55 : memref<400xi32, #tpu.memory_space<hbm>>) target(%arg7 : memref<400xi32, #tpu.memory_space<vmem>>) target_semaphore(%run_scoped3A : memref<!tpu.dma_semaphore, #tpu.memory_space<semaphore_mem>>)
        %dma_wait3A_56 = tpu.memref_slice %arg4[%add3A_40] : memref<800000xi32, #tpu.memory_space<hbm>> -> memref<400xi32, #tpu.memory_space<hbm>>
        %dma_wait3A_57 = tpu.memref_slice %arg4[%add3A_40] : memref<800000xi32, #tpu.memory_space<hbm>> -> memref<400xi32, #tpu.memory_space<hbm>>
        tpu.wait_dma2 semaphore(%run_scoped3A : memref<!tpu.dma_semaphore, #tpu.memory_space<semaphore_mem>>) src(%dma_wait3A_57 : memref<400xi32, #tpu.memory_space<hbm>>) dst(%arg7 : memref<400xi32, #tpu.memory_space<vmem>>)
        tpu.yield
      }) : () -> ()
      "tpu.region"() ({
        %run_scoped3A = tpu.sem_alloc : memref<!tpu.dma_semaphore, #tpu.memory_space<semaphore_mem>>
        %dma_start3A_54 = tpu.memref_slice %arg5[%add3A_40] : memref<800000xi32, #tpu.memory_space<hbm>> -> memref<400xi32, #tpu.memory_space<hbm>>
        %dma_start3A_55 = tpu.memref_slice %arg5[%add3A_40] : memref<800000xi32, #tpu.memory_space<hbm>> -> memref<400xi32, #tpu.memory_space<hbm>>
        tpu.enqueue_dma source(%dma_start3A_55 : memref<400xi32, #tpu.memory_space<hbm>>) target(%arg8 : memref<400xi32, #tpu.memory_space<vmem>>) target_semaphore(%run_scoped3A : memref<!tpu.dma_semaphore, #tpu.memory_space<semaphore_mem>>)
        %dma_wait3A_56 = tpu.memref_slice %arg5[%add3A_40] : memref<800000xi32, #tpu.memory_space<hbm>> -> memref<400xi32, #tpu.memory_space<hbm>>
        %dma_wait3A_57 = tpu.memref_slice %arg5[%add3A_40] : memref<800000xi32, #tpu.memory_space<hbm>> -> memref<400xi32, #tpu.memory_space<hbm>>
        tpu.wait_dma2 semaphore(%run_scoped3A : memref<!tpu.dma_semaphore, #tpu.memory_space<semaphore_mem>>) src(%dma_wait3A_57 : memref<400xi32, #tpu.memory_space<hbm>>) dst(%arg8 : memref<400xi32, #tpu.memory_space<vmem>>)
        tpu.yield
      }) : () -> ()
      %scan3A_41 = arith.constant 0 : i32
      %scan3A_42 = arith.constant 0 : i32
      %scan3A_43 = arith.constant 25 : i32
      %scan3A_44 = arith.addi %scan3A_42, %scan3A_43 : i32
      %scan3A_45 = arith.constant 1 : i32
      scf.for %scan3A_54 = %scan3A_42 to %scan3A_44 step %scan3A_45  : i32 {
        %mul3A_55 = arith.constant 16 : i32
        %mul3A_56 = arith.muli %scan3A_54, %mul3A_55 : i32
        %get3A = arith.index_cast %mul3A_56 : i32 to index
        %get3A_57 = tpu.vector_load %arg7[%get3A] {strides = array<i32>} : memref<400xi32, #tpu.memory_space<vmem>>, vector<16xi32>,
        %get3A_58 = vector.shape_cast %get3A_57 : vector<16xi32> to vector<16xi32>
        %add3A_59 = vector.broadcast %mul3A_26 : i32 to vector<16xi32>
        %add3A_60 = arith.addi %get3A_58, %add3A_59 : vector<16xi32>
        %mul3A_61 = arith.constant 16 : i32
        %mul3A_62 = arith.muli %scan3A_54, %mul3A_61 : i32
        %swap3A = arith.index_cast %mul3A_62 : i32 to index
        %swap3A_63 = tpu.vector_load %arg7[%swap3A] {strides = array<i32>} : memref<400xi32, #tpu.memory_space<vmem>>, vector<16xi32>,
        %swap3A_64 = vector.shape_cast %swap3A_63 : vector<16xi32> to vector<16xi32>
        %swap3A_65 = vector.shape_cast %add3A_60 : vector<16xi32> to vector<16xi32>
        tpu.vector_store %arg7[%swap3A], %swap3A_65 {strides = array<i32>} : memref<400xi32, #tpu.memory_space<vmem>>, vector<16xi32>,
      }
      %scan3A_46 = arith.constant 25 : i32
      %dma_start3A = arith.constant 0 : i32
      %dma_start3A_47 = arith.constant 0 : i32
      %dma_start3A_48 = tpu.memref_slice %arg2[%dma_start3A, %dma_start3A_47] : memref<200000x32xf32, #tpu.memory_space<hbm>> -> memref<200000x32xf32, #tpu.memory_space<hbm>>
      tpu.enqueue_indirect_dma source(%dma_start3A_48 : memref<200000x32xf32, #tpu.memory_space<hbm>>) target(%arg9 : memref<400x32xf32, #tpu.memory_space<vmem>>) offsets(%arg7 : memref<400xi32, #tpu.memory_space<vmem>>) semaphore(%arg12 : memref<!tpu.dma_semaphore, #tpu.memory_space<semaphore_mem>>)
      %dma_wait3A = arith.constant 0 : i32
      %dma_wait3A_49 = arith.constant 0 : i32
      %dma_wait3A_50 = tpu.memref_slice %arg2[%dma_wait3A, %dma_wait3A_49] : memref<200000x32xf32, #tpu.memory_space<hbm>> -> memref<200000x32xf32, #tpu.memory_space<hbm>>
      tpu.wait_indirect_dma semaphore(%arg12 : memref<!tpu.dma_semaphore, #tpu.memory_space<semaphore_mem>>) src(%dma_wait3A_50 : memref<200000x32xf32, #tpu.memory_space<hbm>>) dst(%arg9 : memref<400x32xf32, #tpu.memory_space<vmem>>)
      %mul3A_51 = arith.constant 800000 : i32
      %mul3A_52 = arith.muli %arg0, %mul3A_51 : i32
      %add3A_53 = arith.addi %mul3A_52, %add3A_40 : i32
      "tpu.region"() ({
        %run_scoped3A = tpu.sem_alloc : memref<!tpu.dma_semaphore, #tpu.memory_space<semaphore_mem>>
        %dma_start3A_54 = arith.constant 0 : i32
        %dma_start3A_55 = tpu.memref_slice %arg3[%add3A_53, %dma_start3A_54] : memref<1600000x32xf32, #tpu.memory_space<hbm>> -> memref<400x32xf32, #tpu.memory_space<hbm>>
        %dma_start3A_56 = arith.constant 0 : i32
        %dma_start3A_57 = tpu.memref_slice %arg3[%add3A_53, %dma_start3A_56] : memref<1600000x32xf32, #tpu.memory_space<hbm>> -> memref<400x32xf32, #tpu.memory_space<hbm>>
        tpu.enqueue_dma source(%dma_start3A_57 : memref<400x32xf32, #tpu.memory_space<hbm>>) target(%arg10 : memref<400x32xf32, #tpu.memory_space<vmem>>) target_semaphore(%run_scoped3A : memref<!tpu.dma_semaphore, #tpu.memory_space<semaphore_mem>>)
        %dma_wait3A_58 = arith.constant 0 : i32
        %dma_wait3A_59 = tpu.memref_slice %arg3[%add3A_53, %dma_wait3A_58] : memref<1600000x32xf32, #tpu.memory_space<hbm>> -> memref<400x32xf32, #tpu.memory_space<hbm>>
        %dma_wait3A_60 = arith.constant 0 : i32
        %dma_wait3A_61 = tpu.memref_slice %arg3[%add3A_53, %dma_wait3A_60] : memref<1600000x32xf32, #tpu.memory_space<hbm>> -> memref<400x32xf32, #tpu.memory_space<hbm>>
        tpu.wait_dma2 semaphore(%run_scoped3A : memref<!tpu.dma_semaphore, #tpu.memory_space<semaphore_mem>>) src(%dma_wait3A_61 : memref<400x32xf32, #tpu.memory_space<hbm>>) dst(%arg10 : memref<400x32xf32, #tpu.memory_space<vmem>>)
        tpu.yield
      }) : () -> ()
      "tpu.region"() ({
        %run_scoped3A = tpu.sem_alloc : memref<!tpu.dma_semaphore, #tpu.memory_space<semaphore_mem>>
        %dma_start3A_54 = arith.constant 0 : i32
        %dma_start3A_55 = arith.constant 0 : i32
        %dma_start3A_56 = tpu.memref_slice %arg11[%dma_start3A_54, %dma_start3A_55] : memref<50000x32xf32, #tpu.memory_space<vmem_shared>> -> memref<50000x32xf32, #tpu.memory_space<vmem_shared>>
        tpu.enqueue_indirect_dma source(%arg9 : memref<400x32xf32, #tpu.memory_space<vmem>>) target(%dma_start3A_56 : memref<50000x32xf32, #tpu.memory_space<vmem_shared>>) offsets(%arg8 : memref<400xi32, #tpu.memory_space<vmem>>) semaphore(%run_scoped3A : memref<!tpu.dma_semaphore, #tpu.memory_space<semaphore_mem>>) {add = true}
        %dma_wait3A_57 = arith.constant 0 : i32
        %dma_wait3A_58 = arith.constant 0 : i32
        %dma_wait3A_59 = tpu.memref_slice %arg11[%dma_wait3A_57, %dma_wait3A_58] : memref<50000x32xf32, #tpu.memory_space<vmem_shared>> -> memref<50000x32xf32, #tpu.memory_space<vmem_shared>>
        tpu.wait_indirect_dma semaphore(%run_scoped3A : memref<!tpu.dma_semaphore, #tpu.memory_space<semaphore_mem>>) src(%arg9 : memref<400x32xf32, #tpu.memory_space<vmem>>) dst(%dma_wait3A_59 : memref<50000x32xf32, #tpu.memory_space<vmem_shared>>)
        tpu.yield
      }) : () -> ()
      "tpu.region"() ({
        %run_scoped3A = tpu.sem_alloc : memref<!tpu.dma_semaphore, #tpu.memory_space<semaphore_mem>>
        %dma_start3A_54 = arith.constant 0 : i32
        %dma_start3A_55 = arith.constant 0 : i32
        %dma_start3A_56 = tpu.memref_slice %arg11[%dma_start3A_54, %dma_start3A_55] : memref<50000x32xf32, #tpu.memory_space<vmem_shared>> -> memref<50000x32xf32, #tpu.memory_space<vmem_shared>>
        tpu.enqueue_indirect_dma source(%arg10 : memref<400x32xf32, #tpu.memory_space<vmem>>) target(%dma_start3A_56 : memref<50000x32xf32, #tpu.memory_space<vmem_shared>>) offsets(%arg8 : memref<400xi32, #tpu.memory_space<vmem>>) semaphore(%run_scoped3A : memref<!tpu.dma_semaphore, #tpu.memory_space<semaphore_mem>>) {add = true}
        %dma_wait3A_57 = arith.constant 0 : i32
        %dma_wait3A_58 = arith.constant 0 : i32
        %dma_wait3A_59 = tpu.memref_slice %arg11[%dma_wait3A_57, %dma_wait3A_58] : memref<50000x32xf32, #tpu.memory_space<vmem_shared>> -> memref<50000x32xf32, #tpu.memory_space<vmem_shared>>
        tpu.wait_indirect_dma semaphore(%run_scoped3A : memref<!tpu.dma_semaphore, #tpu.memory_space<semaphore_mem>>) src(%arg10 : memref<400x32xf32, #tpu.memory_space<vmem>>) dst(%dma_wait3A_59 : memref<50000x32xf32, #tpu.memory_space<vmem_shared>>)
        tpu.yield
      }) : () -> ()
    }
    %scan3A_32 = arith.constant 125 : i32
    %barrier3A_33 = arith.constant 0 : index
    tpu.barrier barrier_id(%barrier3A_33)
    %mul3A_34 = arith.constant 50000 : i32
    %mul3A_35 = arith.muli %arg0, %mul3A_34 : i32
    %add3A_36 = arith.addi %mul3A_35, %mul3A_5 : i32
    "tpu.region"() ({
      %run_scoped3A = tpu.sem_alloc : memref<!tpu.dma_semaphore, #tpu.memory_space<semaphore_mem>>
      %dma_start3A = arith.constant 0 : i32
      %dma_start3A_37 = tpu.memref_slice %arg6[%add3A_36, %dma_start3A] : memref<100000x32xf32, #tpu.memory_space<hbm>> -> memref<3125x32xf32, #tpu.memory_space<hbm>>
      %dma_start3A_38 = arith.constant 0 : i32
      %dma_start3A_39 = tpu.memref_slice %arg11[%mul3A_5, %dma_start3A_38] : memref<50000x32xf32, #tpu.memory_space<vmem_shared>> -> memref<3125x32xf32, #tpu.memory_space<vmem_shared>>
      tpu.enqueue_dma source(%dma_start3A_39 : memref<3125x32xf32, #tpu.memory_space<vmem_shared>>) target(%dma_start3A_37 : memref<3125x32xf32, #tpu.memory_space<hbm>>) target_semaphore(%run_scoped3A : memref<!tpu.dma_semaphore, #tpu.memory_space<semaphore_mem>>)
      %dma_wait3A = arith.constant 0 : i32
      %dma_wait3A_40 = tpu.memref_slice %arg6[%add3A_36, %dma_wait3A] : memref<100000x32xf32, #tpu.memory_space<hbm>> -> memref<3125x32xf32, #tpu.memory_space<hbm>>
      %dma_wait3A_41 = arith.constant 0 : i32
      %dma_wait3A_42 = tpu.memref_slice %arg11[%mul3A_5, %dma_wait3A_41] : memref<50000x32xf32, #tpu.memory_space<vmem_shared>> -> memref<3125x32xf32, #tpu.memory_space<vmem_shared>>
      tpu.wait_dma2 semaphore(%run_scoped3A : memref<!tpu.dma_semaphore, #tpu.memory_space<semaphore_mem>>) src(%dma_wait3A_42 : memref<3125x32xf32, #tpu.memory_space<vmem_shared>>) dst(%dma_wait3A_40 : memref<3125x32xf32, #tpu.memory_space<hbm>>)
      tpu.yield
    }) : () -> ()
    return
  }
}

module attributes {stable_mosaic.version = 14 : i64} {
  func.func @_stage_b_body(%arg0: i32, %arg1: memref<6400x2xf32, #tpu.memory_space<vmem>>, %arg2: memref<2x32xf32, #tpu.memory_space<vmem>>, %arg3: memref<1x32xf32, #tpu.memory_space<vmem>>, %arg4: memref<32x64xf32, #tpu.memory_space<vmem>>, %arg5: memref<1x50x128xi32, #tpu.memory_space<vmem>>, %arg6: memref<1x50x128xi32, #tpu.memory_space<vmem>>, %arg7: memref<2x6400x32xf32, #tpu.memory_space<vmem>>, %arg8: memref<1x50x128xi32, #tpu.memory_space<vmem>>) attributes {dimension_semantics = [#tpu.dimension_semantics<arbitrary>], iteration_bounds = array<i64: 125>, scalar_prefetch = 0 : i64, scratch_operands = 0 : i64, tpu.core_type = #tpu.core_type<tc>, window_params = [{transform_indices = @transform_0, window_bounds = array<i64: 6400, 2>}, {pipeline_mode = #tpu.pipeline_mode<synchronous>, transform_indices = @transform_1, window_bounds = array<i64: 2, 32>}, {pipeline_mode = #tpu.pipeline_mode<synchronous>, transform_indices = @transform_2, window_bounds = array<i64: 1, 32>}, {pipeline_mode = #tpu.pipeline_mode<synchronous>, transform_indices = @transform_3, window_bounds = array<i64: 32, 64>}, {transform_indices = @transform_4, window_bounds = array<i64: 1, 50, 128>}, {transform_indices = @transform_5, window_bounds = array<i64: 1, 50, 128>}, {transform_indices = @transform_6, window_bounds = array<i64: 2, 6400, 32>}, {transform_indices = @transform_7, window_bounds = array<i64: 1, 50, 128>}]} {
    %get3A = arith.constant 0 : index
    %get3A_0 = arith.constant 0 : index
    %get3A_1 = vector.load %arg1[%get3A, %get3A_0] : memref<6400x2xf32, #tpu.memory_space<vmem>>, vector<6400x2xf32>
    %get3A_2 = arith.constant 0 : index
    %get3A_3 = arith.constant 0 : index
    %get3A_4 = vector.load %arg2[%get3A_2, %get3A_3] : memref<2x32xf32, #tpu.memory_space<vmem>>, vector<2x32xf32>
    %dot_general3A = arith.constant dense<0.000000e+00> : vector<6400x32xf32>
    %dot_general3A_5 = tpu.matmul %get3A_1, %get3A_4, %dot_general3A {dimension_numbers = #tpu.dot_dimension_numbers<[1], [0], [0], [1], [0, 0, 1, 1], [], []>, transpose_lhs_hint = false} : vector<6400x2xf32>, vector<2x32xf32>, vector<6400x32xf32> -> vector<6400x32xf32>
    %get3A_6 = arith.constant 0 : index
    %get3A_7 = arith.constant 0 : index
    %get3A_8 = vector.load %arg3[%get3A_6, %get3A_7] : memref<1x32xf32, #tpu.memory_space<vmem>>, vector<1x32xf32>
    %add3A = vector.broadcast %get3A_8 : vector<1x32xf32> to vector<6400x32xf32>
    %add3A_9 = arith.addf %dot_general3A_5, %add3A : vector<6400x32xf32>
    %max3A = arith.constant 0.000000e+00 : f32
    %max3A_10 = vector.broadcast %max3A : f32 to vector<6400x32xf32>
    %max3A_11 = arith.maximumf %add3A_9, %max3A_10 : vector<6400x32xf32>
    %get3A_12 = arith.constant 0 : index
    %get3A_13 = arith.constant 0 : index
    %get3A_14 = vector.load %arg4[%get3A_12, %get3A_13] : memref<32x64xf32, #tpu.memory_space<vmem>>, vector<32x64xf32>
    %dot_general3A_15 = arith.constant dense<0.000000e+00> : vector<6400x64xf32>
    %dot_general3A_16 = tpu.matmul %max3A_11, %get3A_14, %dot_general3A_15 {dimension_numbers = #tpu.dot_dimension_numbers<[1], [0], [0], [1], [0, 0, 1, 1], [], []>, transpose_lhs_hint = false} : vector<6400x32xf32>, vector<32x64xf32>, vector<6400x64xf32> -> vector<6400x64xf32>
    %slice3A = vector.extract_strided_slice %dot_general3A_16 {offsets = [0, 0], sizes = [6400, 32], strides = [1, 1]} : vector<6400x64xf32> to vector<6400x32xf32>
    %swap3A = arith.constant 0 : index
    %swap3A_17 = arith.constant 0 : index
    %swap3A_18 = arith.constant 0 : index
    %swap3A_19 = vector.load %arg7[%swap3A, %swap3A_17, %swap3A_18] : memref<2x6400x32xf32, #tpu.memory_space<vmem>>, vector<1x6400x32xf32>
    %swap3A_20 = vector.shape_cast %swap3A_19 : vector<1x6400x32xf32> to vector<6400x32xf32>
    %swap3A_21 = vector.shape_cast %slice3A : vector<6400x32xf32> to vector<1x6400x32xf32>
    tpu.vector_store %arg7[%swap3A, %swap3A_17, %swap3A_18], %swap3A_21 {strides = array<i32>} : memref<2x6400x32xf32, #tpu.memory_space<vmem>>, vector<1x6400x32xf32>,
    %slice3A_22 = vector.extract_strided_slice %dot_general3A_16 {offsets = [0, 32], sizes = [6400, 32], strides = [1, 1]} : vector<6400x64xf32> to vector<6400x32xf32>
    %swap3A_23 = arith.constant 1 : index
    %swap3A_24 = arith.constant 0 : index
    %swap3A_25 = arith.constant 0 : index
    %swap3A_26 = vector.load %arg7[%swap3A_23, %swap3A_24, %swap3A_25] : memref<2x6400x32xf32, #tpu.memory_space<vmem>>, vector<1x6400x32xf32>
    %swap3A_27 = vector.shape_cast %swap3A_26 : vector<1x6400x32xf32> to vector<6400x32xf32>
    %swap3A_28 = vector.shape_cast %slice3A_22 : vector<6400x32xf32> to vector<1x6400x32xf32>
    tpu.vector_store %arg7[%swap3A_23, %swap3A_24, %swap3A_25], %swap3A_28 {strides = array<i32>} : memref<2x6400x32xf32, #tpu.memory_space<vmem>>, vector<1x6400x32xf32>,
    %get3A_29 = arith.constant 0 : index
    %get3A_30 = arith.constant 0 : index
    %get3A_31 = arith.constant 0 : index
    %get3A_32 = vector.load %arg6[%get3A_29, %get3A_30, %get3A_31] : memref<1x50x128xi32, #tpu.memory_space<vmem>>, vector<1x50x128xi32>
    %mul3A = arith.constant 50000 : i32
    %mul3A_33 = vector.broadcast %mul3A : i32 to vector<1x50x128xi32>
    %mul3A_34 = arith.muli %get3A_32, %mul3A_33 : vector<1x50x128xi32>
    %get3A_35 = arith.constant 0 : index
    %get3A_36 = arith.constant 0 : index
    %get3A_37 = arith.constant 0 : index
    %get3A_38 = vector.load %arg5[%get3A_35, %get3A_36, %get3A_37] : memref<1x50x128xi32, #tpu.memory_space<vmem>>, vector<1x50x128xi32>
    %add3A_39 = arith.addi %mul3A_34, %get3A_38 : vector<1x50x128xi32>
    %swap3A_40 = arith.constant 0 : index
    %swap3A_41 = arith.constant 0 : index
    %swap3A_42 = arith.constant 0 : index
    %swap3A_43 = vector.load %arg8[%swap3A_40, %swap3A_41, %swap3A_42] : memref<1x50x128xi32, #tpu.memory_space<vmem>>, vector<1x50x128xi32>
    tpu.vector_store %arg8[%swap3A_40, %swap3A_41, %swap3A_42], %add3A_39 {strides = array<i32>} : memref<1x50x128xi32, #tpu.memory_space<vmem>>, vector<1x50x128xi32>,
    return
  }
  func.func @transform_0(%arg0: i32) -> (i32, i32) {
    %c0_i32 = arith.constant 0 : i32
    %c0_i32_0 = arith.constant 0 : i32
    return %arg0, %c0_i32 : i32, i32
  }
  func.func @transform_1(%arg0: i32) -> (i32, i32) {
    %c0_i32 = arith.constant 0 : i32
    %c0_i32_0 = arith.constant 0 : i32
    %c0_i32_1 = arith.constant 0 : i32
    return %c0_i32, %c0_i32_0 : i32, i32
  }
  func.func @transform_2(%arg0: i32) -> (i32, i32) {
    %c0_i32 = arith.constant 0 : i32
    %c0_i32_0 = arith.constant 0 : i32
    %c0_i32_1 = arith.constant 0 : i32
    return %c0_i32, %c0_i32_0 : i32, i32
  }
  func.func @transform_3(%arg0: i32) -> (i32, i32) {
    %c0_i32 = arith.constant 0 : i32
    %c0_i32_0 = arith.constant 0 : i32
    %c0_i32_1 = arith.constant 0 : i32
    return %c0_i32, %c0_i32_0 : i32, i32
  }
  func.func @transform_4(%arg0: i32) -> (i32, i32, i32) {
    %c0_i32 = arith.constant 0 : i32
    %c0_i32_0 = arith.constant 0 : i32
    %c0_i32_1 = arith.constant 0 : i32
    return %arg0, %c0_i32, %c0_i32_0 : i32, i32, i32
  }
  func.func @transform_5(%arg0: i32) -> (i32, i32, i32) {
    %c0_i32 = arith.constant 0 : i32
    %c0_i32_0 = arith.constant 0 : i32
    %c0_i32_1 = arith.constant 0 : i32
    return %arg0, %c0_i32, %c0_i32_0 : i32, i32, i32
  }
  func.func @transform_6(%arg0: i32) -> (i32, i32, i32) {
    %c0_i32 = arith.constant 0 : i32
    %c0_i32_0 = arith.constant 0 : i32
    %c0_i32_1 = arith.constant 0 : i32
    return %c0_i32, %arg0, %c0_i32_0 : i32, i32, i32
  }
  func.func @transform_7(%arg0: i32) -> (i32, i32, i32) {
    %c0_i32 = arith.constant 0 : i32
    %c0_i32_0 = arith.constant 0 : i32
    %c0_i32_1 = arith.constant 0 : i32
    return %arg0, %c0_i32, %c0_i32_0 : i32, i32, i32
  }
}

module attributes {stable_mosaic.version = 14 : i64} {
  func.func @_stage_a_body(%arg0: i32, %arg1: memref<2000x3xf32, #tpu.memory_space<vmem>>, %arg2: memref<3x64xf32, #tpu.memory_space<vmem>>, %arg3: memref<1x64xf32, #tpu.memory_space<vmem>>, %arg4: memref<2x64x64xf32, #tpu.memory_space<vmem>>, %arg5: memref<64x64xf32, #tpu.memory_space<vmem>>, %arg6: memref<2x2x2000x32xf32, #tpu.memory_space<vmem>>, %arg7: memref<2000x64xf32, #tpu.memory_space<vmem>>) attributes {dimension_semantics = [#tpu.dimension_semantics<arbitrary>], iteration_bounds = array<i64: 25>, scalar_prefetch = 0 : i64, scratch_operands = 0 : i64, tpu.core_type = #tpu.core_type<tc>, window_params = [{transform_indices = @transform_0, window_bounds = array<i64: 2000, 3>}, {pipeline_mode = #tpu.pipeline_mode<synchronous>, transform_indices = @transform_1, window_bounds = array<i64: 3, 64>}, {pipeline_mode = #tpu.pipeline_mode<synchronous>, transform_indices = @transform_2, window_bounds = array<i64: 1, 64>}, {pipeline_mode = #tpu.pipeline_mode<synchronous>, transform_indices = @transform_3, window_bounds = array<i64: 2, 64, 64>}, {pipeline_mode = #tpu.pipeline_mode<synchronous>, transform_indices = @transform_4, window_bounds = array<i64: 64, 64>}, {transform_indices = @transform_5, window_bounds = array<i64: 2, 2, 2000, 32>}, {transform_indices = @transform_6, window_bounds = array<i64: 2000, 64>}]} {
    %get3A = arith.constant 0 : index
    %get3A_0 = arith.constant 0 : index
    %get3A_1 = vector.load %arg1[%get3A, %get3A_0] : memref<2000x3xf32, #tpu.memory_space<vmem>>, vector<2000x3xf32>
    %get3A_2 = arith.constant 0 : index
    %get3A_3 = arith.constant 0 : index
    %get3A_4 = vector.load %arg2[%get3A_2, %get3A_3] : memref<3x64xf32, #tpu.memory_space<vmem>>, vector<3x64xf32>
    %dot_general3A = arith.constant dense<0.000000e+00> : vector<2000x64xf32>
    %dot_general3A_5 = tpu.matmul %get3A_1, %get3A_4, %dot_general3A {dimension_numbers = #tpu.dot_dimension_numbers<[1], [0], [0], [1], [0, 0, 1, 1], [], []>, transpose_lhs_hint = false} : vector<2000x3xf32>, vector<3x64xf32>, vector<2000x64xf32> -> vector<2000x64xf32>
    %get3A_6 = arith.constant 0 : index
    %get3A_7 = arith.constant 0 : index
    %get3A_8 = vector.load %arg3[%get3A_6, %get3A_7] : memref<1x64xf32, #tpu.memory_space<vmem>>, vector<1x64xf32>
    %add3A = vector.broadcast %get3A_8 : vector<1x64xf32> to vector<2000x64xf32>
    %add3A_9 = arith.addf %dot_general3A_5, %add3A : vector<2000x64xf32>
    %max3A = arith.constant 0.000000e+00 : f32
    %max3A_10 = vector.broadcast %max3A : f32 to vector<2000x64xf32>
    %max3A_11 = arith.maximumf %add3A_9, %max3A_10 : vector<2000x64xf32>
    %get3A_12 = arith.constant 0 : index
    %get3A_13 = arith.constant 0 : index
    %get3A_14 = arith.constant 0 : index
    %get3A_15 = vector.load %arg4[%get3A_12, %get3A_13, %get3A_14] : memref<2x64x64xf32, #tpu.memory_space<vmem>>, vector<1x64x64xf32>
    %get3A_16 = vector.shape_cast %get3A_15 : vector<1x64x64xf32> to vector<64x64xf32>
    %dot_general3A_17 = arith.constant dense<0.000000e+00> : vector<2000x64xf32>
    %dot_general3A_18 = tpu.matmul %max3A_11, %get3A_16, %dot_general3A_17 {dimension_numbers = #tpu.dot_dimension_numbers<[1], [0], [0], [1], [0, 0, 1, 1], [], []>, transpose_lhs_hint = false} : vector<2000x64xf32>, vector<64x64xf32>, vector<2000x64xf32> -> vector<2000x64xf32>
    %slice3A = vector.extract_strided_slice %dot_general3A_18 {offsets = [0, 0], sizes = [2000, 32], strides = [1, 1]} : vector<2000x64xf32> to vector<2000x32xf32>
    %swap3A = arith.constant 0 : index
    %swap3A_19 = arith.constant 0 : index
    %swap3A_20 = arith.constant 0 : index
    %swap3A_21 = arith.constant 0 : index
    %swap3A_22 = vector.load %arg6[%swap3A, %swap3A_19, %swap3A_20, %swap3A_21] : memref<2x2x2000x32xf32, #tpu.memory_space<vmem>>, vector<1x1x2000x32xf32>
    %swap3A_23 = vector.shape_cast %swap3A_22 : vector<1x1x2000x32xf32> to vector<2000x32xf32>
    %swap3A_24 = vector.shape_cast %slice3A : vector<2000x32xf32> to vector<1x1x2000x32xf32>
    tpu.vector_store %arg6[%swap3A, %swap3A_19, %swap3A_20, %swap3A_21], %swap3A_24 {strides = array<i32>} : memref<2x2x2000x32xf32, #tpu.memory_space<vmem>>, vector<1x1x2000x32xf32>,
    %slice3A_25 = vector.extract_strided_slice %dot_general3A_18 {offsets = [0, 32], sizes = [2000, 32], strides = [1, 1]} : vector<2000x64xf32> to vector<2000x32xf32>
    %swap3A_26 = arith.constant 1 : index
    %swap3A_27 = arith.constant 0 : index
    %swap3A_28 = arith.constant 0 : index
    %swap3A_29 = arith.constant 0 : index
    %swap3A_30 = vector.load %arg6[%swap3A_26, %swap3A_27, %swap3A_28, %swap3A_29] : memref<2x2x2000x32xf32, #tpu.memory_space<vmem>>, vector<1x1x2000x32xf32>
    %swap3A_31 = vector.shape_cast %swap3A_30 : vector<1x1x2000x32xf32> to vector<2000x32xf32>
    %swap3A_32 = vector.shape_cast %slice3A_25 : vector<2000x32xf32> to vector<1x1x2000x32xf32>
    tpu.vector_store %arg6[%swap3A_26, %swap3A_27, %swap3A_28, %swap3A_29], %swap3A_32 {strides = array<i32>} : memref<2x2x2000x32xf32, #tpu.memory_space<vmem>>, vector<1x1x2000x32xf32>,
    %get3A_33 = arith.constant 1 : index
    %get3A_34 = arith.constant 0 : index
    %get3A_35 = arith.constant 0 : index
    %get3A_36 = vector.load %arg4[%get3A_33, %get3A_34, %get3A_35] : memref<2x64x64xf32, #tpu.memory_space<vmem>>, vector<1x64x64xf32>
    %get3A_37 = vector.shape_cast %get3A_36 : vector<1x64x64xf32> to vector<64x64xf32>
    %dot_general3A_38 = arith.constant dense<0.000000e+00> : vector<2000x64xf32>
    %dot_general3A_39 = tpu.matmul %max3A_11, %get3A_37, %dot_general3A_38 {dimension_numbers = #tpu.dot_dimension_numbers<[1], [0], [0], [1], [0, 0, 1, 1], [], []>, transpose_lhs_hint = false} : vector<2000x64xf32>, vector<64x64xf32>, vector<2000x64xf32> -> vector<2000x64xf32>
    %slice3A_40 = vector.extract_strided_slice %dot_general3A_39 {offsets = [0, 0], sizes = [2000, 32], strides = [1, 1]} : vector<2000x64xf32> to vector<2000x32xf32>
    %swap3A_41 = arith.constant 0 : index
    %swap3A_42 = arith.constant 1 : index
    %swap3A_43 = arith.constant 0 : index
    %swap3A_44 = arith.constant 0 : index
    %swap3A_45 = vector.load %arg6[%swap3A_41, %swap3A_42, %swap3A_43, %swap3A_44] : memref<2x2x2000x32xf32, #tpu.memory_space<vmem>>, vector<1x1x2000x32xf32>
    %swap3A_46 = vector.shape_cast %swap3A_45 : vector<1x1x2000x32xf32> to vector<2000x32xf32>
    %swap3A_47 = vector.shape_cast %slice3A_40 : vector<2000x32xf32> to vector<1x1x2000x32xf32>
    tpu.vector_store %arg6[%swap3A_41, %swap3A_42, %swap3A_43, %swap3A_44], %swap3A_47 {strides = array<i32>} : memref<2x2x2000x32xf32, #tpu.memory_space<vmem>>, vector<1x1x2000x32xf32>,
    %slice3A_48 = vector.extract_strided_slice %dot_general3A_39 {offsets = [0, 32], sizes = [2000, 32], strides = [1, 1]} : vector<2000x64xf32> to vector<2000x32xf32>
    %swap3A_49 = arith.constant 1 : index
    %swap3A_50 = arith.constant 1 : index
    %swap3A_51 = arith.constant 0 : index
    %swap3A_52 = arith.constant 0 : index
    %swap3A_53 = vector.load %arg6[%swap3A_49, %swap3A_50, %swap3A_51, %swap3A_52] : memref<2x2x2000x32xf32, #tpu.memory_space<vmem>>, vector<1x1x2000x32xf32>
    %swap3A_54 = vector.shape_cast %swap3A_53 : vector<1x1x2000x32xf32> to vector<2000x32xf32>
    %swap3A_55 = vector.shape_cast %slice3A_48 : vector<2000x32xf32> to vector<1x1x2000x32xf32>
    tpu.vector_store %arg6[%swap3A_49, %swap3A_50, %swap3A_51, %swap3A_52], %swap3A_55 {strides = array<i32>} : memref<2x2x2000x32xf32, #tpu.memory_space<vmem>>, vector<1x1x2000x32xf32>,
    %get3A_56 = arith.constant 0 : index
    %get3A_57 = arith.constant 0 : index
    %get3A_58 = vector.load %arg5[%get3A_56, %get3A_57] : memref<64x64xf32, #tpu.memory_space<vmem>>, vector<64x64xf32>
    %dot_general3A_59 = arith.constant dense<0.000000e+00> : vector<2000x64xf32>
    %dot_general3A_60 = tpu.matmul %max3A_11, %get3A_58, %dot_general3A_59 {dimension_numbers = #tpu.dot_dimension_numbers<[1], [0], [0], [1], [0, 0, 1, 1], [], []>, transpose_lhs_hint = false} : vector<2000x64xf32>, vector<64x64xf32>, vector<2000x64xf32> -> vector<2000x64xf32>
    %swap3A_61 = arith.constant 0 : index
    %swap3A_62 = arith.constant 0 : index
    %swap3A_63 = vector.load %arg7[%swap3A_61, %swap3A_62] : memref<2000x64xf32, #tpu.memory_space<vmem>>, vector<2000x64xf32>
    tpu.vector_store %arg7[%swap3A_61, %swap3A_62], %dot_general3A_60 {strides = array<i32>} : memref<2000x64xf32, #tpu.memory_space<vmem>>, vector<2000x64xf32>,
    return
  }
  func.func @transform_0(%arg0: i32) -> (i32, i32) {
    %c0_i32 = arith.constant 0 : i32
    %c0_i32_0 = arith.constant 0 : i32
    return %arg0, %c0_i32 : i32, i32
  }
  func.func @transform_1(%arg0: i32) -> (i32, i32) {
    %c0_i32 = arith.constant 0 : i32
    %c0_i32_0 = arith.constant 0 : i32
    %c0_i32_1 = arith.constant 0 : i32
    return %c0_i32, %c0_i32_0 : i32, i32
  }
  func.func @transform_2(%arg0: i32) -> (i32, i32) {
    %c0_i32 = arith.constant 0 : i32
    %c0_i32_0 = arith.constant 0 : i32
    %c0_i32_1 = arith.constant 0 : i32
    return %c0_i32, %c0_i32_0 : i32, i32
  }
  func.func @transform_3(%arg0: i32) -> (i32, i32, i32) {
    %c0_i32 = arith.constant 0 : i32
    %c0_i32_0 = arith.constant 0 : i32
    %c0_i32_1 = arith.constant 0 : i32
    %c0_i32_2 = arith.constant 0 : i32
    return %c0_i32, %c0_i32_0, %c0_i32_1 : i32, i32, i32
  }
  func.func @transform_4(%arg0: i32) -> (i32, i32) {
    %c0_i32 = arith.constant 0 : i32
    %c0_i32_0 = arith.constant 0 : i32
    %c0_i32_1 = arith.constant 0 : i32
    return %c0_i32, %c0_i32_0 : i32, i32
  }
  func.func @transform_5(%arg0: i32) -> (i32, i32, i32, i32) {
    %c0_i32 = arith.constant 0 : i32
    %c0_i32_0 = arith.constant 0 : i32
    %c0_i32_1 = arith.constant 0 : i32
    %c0_i32_2 = arith.constant 0 : i32
    return %c0_i32, %c0_i32_0, %arg0, %c0_i32_1 : i32, i32, i32, i32
  }
  func.func @transform_6(%arg0: i32) -> (i32, i32) {
    %c0_i32 = arith.constant 0 : i32
    %c0_i32_0 = arith.constant 0 : i32
    return %arg0, %c0_i32 : i32, i32
  }
}

module attributes {stable_mosaic.version = 14 : i64} {
  func.func @_stage_d_body(%arg0: i32, %arg1: memref<2x2000x32xf32, #tpu.memory_space<vmem>>, %arg2: memref<2000x64xf32, #tpu.memory_space<vmem>>, %arg3: memref<1x64xf32, #tpu.memory_space<vmem>>, %arg4: memref<2x64x64xf32, #tpu.memory_space<vmem>>, %arg5: memref<64x64xf32, #tpu.memory_space<vmem>>, %arg6: memref<1x64xf32, #tpu.memory_space<vmem>>, %arg7: memref<2x2x2000x32xf32, #tpu.memory_space<vmem>>, %arg8: memref<2000x64xf32, #tpu.memory_space<vmem>>) attributes {dimension_semantics = [#tpu.dimension_semantics<arbitrary>], iteration_bounds = array<i64: 25>, scalar_prefetch = 0 : i64, scratch_operands = 0 : i64, tpu.core_type = #tpu.core_type<tc>, window_params = [{transform_indices = @transform_0, window_bounds = array<i64: 2, 2000, 32>}, {transform_indices = @transform_1, window_bounds = array<i64: 2000, 64>}, {pipeline_mode = #tpu.pipeline_mode<synchronous>, transform_indices = @transform_2, window_bounds = array<i64: 1, 64>}, {pipeline_mode = #tpu.pipeline_mode<synchronous>, transform_indices = @transform_3, window_bounds = array<i64: 2, 64, 64>}, {pipeline_mode = #tpu.pipeline_mode<synchronous>, transform_indices = @transform_4, window_bounds = array<i64: 64, 64>}, {pipeline_mode = #tpu.pipeline_mode<synchronous>, transform_indices = @transform_5, window_bounds = array<i64: 1, 64>}, {transform_indices = @transform_6, window_bounds = array<i64: 2, 2, 2000, 32>}, {transform_indices = @transform_7, window_bounds = array<i64: 2000, 64>}]} {
    %get3A = arith.constant 0 : index
    %get3A_0 = arith.constant 0 : index
    %get3A_1 = arith.constant 0 : index
    %get3A_2 = vector.load %arg1[%get3A, %get3A_0, %get3A_1] : memref<2x2000x32xf32, #tpu.memory_space<vmem>>, vector<1x2000x32xf32>
    %get3A_3 = vector.shape_cast %get3A_2 : vector<1x2000x32xf32> to vector<2000x32xf32>
    %get3A_4 = arith.constant 1 : index
    %get3A_5 = arith.constant 0 : index
    %get3A_6 = arith.constant 0 : index
    %get3A_7 = vector.load %arg1[%get3A_4, %get3A_5, %get3A_6] : memref<2x2000x32xf32, #tpu.memory_space<vmem>>, vector<1x2000x32xf32>
    %get3A_8 = vector.shape_cast %get3A_7 : vector<1x2000x32xf32> to vector<2000x32xf32>
    %concatenate3A = tpu.concatenate %get3A_3, %get3A_8 in 1 : vector<2000x32xf32>, vector<2000x32xf32> -> vector<2000x64xf32>
    %get3A_9 = arith.constant 0 : index
    %get3A_10 = arith.constant 0 : index
    %get3A_11 = vector.load %arg2[%get3A_9, %get3A_10] : memref<2000x64xf32, #tpu.memory_space<vmem>>, vector<2000x64xf32>
    %add3A = arith.addf %concatenate3A, %get3A_11 : vector<2000x64xf32>
    %get3A_12 = arith.constant 0 : index
    %get3A_13 = arith.constant 0 : index
    %get3A_14 = vector.load %arg3[%get3A_12, %get3A_13] : memref<1x64xf32, #tpu.memory_space<vmem>>, vector<1x64xf32>
    %add3A_15 = vector.broadcast %get3A_14 : vector<1x64xf32> to vector<2000x64xf32>
    %add3A_16 = arith.addf %add3A, %add3A_15 : vector<2000x64xf32>
    %max3A = arith.constant 0.000000e+00 : f32
    %max3A_17 = vector.broadcast %max3A : f32 to vector<2000x64xf32>
    %max3A_18 = arith.maximumf %add3A_16, %max3A_17 : vector<2000x64xf32>
    %get3A_19 = arith.constant 0 : index
    %get3A_20 = arith.constant 0 : index
    %get3A_21 = arith.constant 0 : index
    %get3A_22 = vector.load %arg4[%get3A_19, %get3A_20, %get3A_21] : memref<2x64x64xf32, #tpu.memory_space<vmem>>, vector<1x64x64xf32>
    %get3A_23 = vector.shape_cast %get3A_22 : vector<1x64x64xf32> to vector<64x64xf32>
    %dot_general3A = arith.constant dense<0.000000e+00> : vector<2000x64xf32>
    %dot_general3A_24 = tpu.matmul %max3A_18, %get3A_23, %dot_general3A {dimension_numbers = #tpu.dot_dimension_numbers<[1], [0], [0], [1], [0, 0, 1, 1], [], []>, transpose_lhs_hint = false} : vector<2000x64xf32>, vector<64x64xf32>, vector<2000x64xf32> -> vector<2000x64xf32>
    %slice3A = vector.extract_strided_slice %dot_general3A_24 {offsets = [0, 0], sizes = [2000, 32], strides = [1, 1]} : vector<2000x64xf32> to vector<2000x32xf32>
    %swap3A = arith.constant 0 : index
    %swap3A_25 = arith.constant 0 : index
    %swap3A_26 = arith.constant 0 : index
    %swap3A_27 = arith.constant 0 : index
    %swap3A_28 = vector.load %arg7[%swap3A, %swap3A_25, %swap3A_26, %swap3A_27] : memref<2x2x2000x32xf32, #tpu.memory_space<vmem>>, vector<1x1x2000x32xf32>
    %swap3A_29 = vector.shape_cast %swap3A_28 : vector<1x1x2000x32xf32> to vector<2000x32xf32>
    %swap3A_30 = vector.shape_cast %slice3A : vector<2000x32xf32> to vector<1x1x2000x32xf32>
    tpu.vector_store %arg7[%swap3A, %swap3A_25, %swap3A_26, %swap3A_27], %swap3A_30 {strides = array<i32>} : memref<2x2x2000x32xf32, #tpu.memory_space<vmem>>, vector<1x1x2000x32xf32>,
    %slice3A_31 = vector.extract_strided_slice %dot_general3A_24 {offsets = [0, 32], sizes = [2000, 32], strides = [1, 1]} : vector<2000x64xf32> to vector<2000x32xf32>
    %swap3A_32 = arith.constant 1 : index
    %swap3A_33 = arith.constant 0 : index
    %swap3A_34 = arith.constant 0 : index
    %swap3A_35 = arith.constant 0 : index
    %swap3A_36 = vector.load %arg7[%swap3A_32, %swap3A_33, %swap3A_34, %swap3A_35] : memref<2x2x2000x32xf32, #tpu.memory_space<vmem>>, vector<1x1x2000x32xf32>
    %swap3A_37 = vector.shape_cast %swap3A_36 : vector<1x1x2000x32xf32> to vector<2000x32xf32>
    %swap3A_38 = vector.shape_cast %slice3A_31 : vector<2000x32xf32> to vector<1x1x2000x32xf32>
    tpu.vector_store %arg7[%swap3A_32, %swap3A_33, %swap3A_34, %swap3A_35], %swap3A_38 {strides = array<i32>} : memref<2x2x2000x32xf32, #tpu.memory_space<vmem>>, vector<1x1x2000x32xf32>,
    %get3A_39 = arith.constant 1 : index
    %get3A_40 = arith.constant 0 : index
    %get3A_41 = arith.constant 0 : index
    %get3A_42 = vector.load %arg4[%get3A_39, %get3A_40, %get3A_41] : memref<2x64x64xf32, #tpu.memory_space<vmem>>, vector<1x64x64xf32>
    %get3A_43 = vector.shape_cast %get3A_42 : vector<1x64x64xf32> to vector<64x64xf32>
    %dot_general3A_44 = arith.constant dense<0.000000e+00> : vector<2000x64xf32>
    %dot_general3A_45 = tpu.matmul %max3A_18, %get3A_43, %dot_general3A_44 {dimension_numbers = #tpu.dot_dimension_numbers<[1], [0], [0], [1], [0, 0, 1, 1], [], []>, transpose_lhs_hint = false} : vector<2000x64xf32>, vector<64x64xf32>, vector<2000x64xf32> -> vector<2000x64xf32>
    %slice3A_46 = vector.extract_strided_slice %dot_general3A_45 {offsets = [0, 0], sizes = [2000, 32], strides = [1, 1]} : vector<2000x64xf32> to vector<2000x32xf32>
    %swap3A_47 = arith.constant 0 : index
    %swap3A_48 = arith.constant 1 : index
    %swap3A_49 = arith.constant 0 : index
    %swap3A_50 = arith.constant 0 : index
    %swap3A_51 = vector.load %arg7[%swap3A_47, %swap3A_48, %swap3A_49, %swap3A_50] : memref<2x2x2000x32xf32, #tpu.memory_space<vmem>>, vector<1x1x2000x32xf32>
    %swap3A_52 = vector.shape_cast %swap3A_51 : vector<1x1x2000x32xf32> to vector<2000x32xf32>
    %swap3A_53 = vector.shape_cast %slice3A_46 : vector<2000x32xf32> to vector<1x1x2000x32xf32>
    tpu.vector_store %arg7[%swap3A_47, %swap3A_48, %swap3A_49, %swap3A_50], %swap3A_53 {strides = array<i32>} : memref<2x2x2000x32xf32, #tpu.memory_space<vmem>>, vector<1x1x2000x32xf32>,
    %slice3A_54 = vector.extract_strided_slice %dot_general3A_45 {offsets = [0, 32], sizes = [2000, 32], strides = [1, 1]} : vector<2000x64xf32> to vector<2000x32xf32>
    %swap3A_55 = arith.constant 1 : index
    %swap3A_56 = arith.constant 1 : index
    %swap3A_57 = arith.constant 0 : index
    %swap3A_58 = arith.constant 0 : index
    %swap3A_59 = vector.load %arg7[%swap3A_55, %swap3A_56, %swap3A_57, %swap3A_58] : memref<2x2x2000x32xf32, #tpu.memory_space<vmem>>, vector<1x1x2000x32xf32>
    %swap3A_60 = vector.shape_cast %swap3A_59 : vector<1x1x2000x32xf32> to vector<2000x32xf32>
    %swap3A_61 = vector.shape_cast %slice3A_54 : vector<2000x32xf32> to vector<1x1x2000x32xf32>
    tpu.vector_store %arg7[%swap3A_55, %swap3A_56, %swap3A_57, %swap3A_58], %swap3A_61 {strides = array<i32>} : memref<2x2x2000x32xf32, #tpu.memory_space<vmem>>, vector<1x1x2000x32xf32>,
    %get3A_62 = arith.constant 0 : index
    %get3A_63 = arith.constant 0 : index
    %get3A_64 = vector.load %arg5[%get3A_62, %get3A_63] : memref<64x64xf32, #tpu.memory_space<vmem>>, vector<64x64xf32>
    %dot_general3A_65 = arith.constant dense<0.000000e+00> : vector<2000x64xf32>
    %dot_general3A_66 = tpu.matmul %max3A_18, %get3A_64, %dot_general3A_65 {dimension_numbers = #tpu.dot_dimension_numbers<[1], [0], [0], [1], [0, 0, 1, 1], [], []>, transpose_lhs_hint = false} : vector<2000x64xf32>, vector<64x64xf32>, vector<2000x64xf32> -> vector<2000x64xf32>
    %get3A_67 = arith.constant 0 : index
    %get3A_68 = arith.constant 0 : index
    %get3A_69 = vector.load %arg6[%get3A_67, %get3A_68] : memref<1x64xf32, #tpu.memory_space<vmem>>, vector<1x64xf32>
    %add3A_70 = vector.broadcast %get3A_69 : vector<1x64xf32> to vector<2000x64xf32>
    %add3A_71 = arith.addf %dot_general3A_66, %add3A_70 : vector<2000x64xf32>
    %swap3A_72 = arith.constant 0 : index
    %swap3A_73 = arith.constant 0 : index
    %swap3A_74 = vector.load %arg8[%swap3A_72, %swap3A_73] : memref<2000x64xf32, #tpu.memory_space<vmem>>, vector<2000x64xf32>
    tpu.vector_store %arg8[%swap3A_72, %swap3A_73], %add3A_71 {strides = array<i32>} : memref<2000x64xf32, #tpu.memory_space<vmem>>, vector<2000x64xf32>,
    return
  }
  func.func @transform_0(%arg0: i32) -> (i32, i32, i32) {
    %c0_i32 = arith.constant 0 : i32
    %c0_i32_0 = arith.constant 0 : i32
    %c0_i32_1 = arith.constant 0 : i32
    return %c0_i32, %arg0, %c0_i32_0 : i32, i32, i32
  }
  func.func @transform_1(%arg0: i32) -> (i32, i32) {
    %c0_i32 = arith.constant 0 : i32
    %c0_i32_0 = arith.constant 0 : i32
    return %arg0, %c0_i32 : i32, i32
  }
  func.func @transform_2(%arg0: i32) -> (i32, i32) {
    %c0_i32 = arith.constant 0 : i32
    %c0_i32_0 = arith.constant 0 : i32
    %c0_i32_1 = arith.constant 0 : i32
    return %c0_i32, %c0_i32_0 : i32, i32
  }
  func.func @transform_3(%arg0: i32) -> (i32, i32, i32) {
    %c0_i32 = arith.constant 0 : i32
    %c0_i32_0 = arith.constant 0 : i32
    %c0_i32_1 = arith.constant 0 : i32
    %c0_i32_2 = arith.constant 0 : i32
    return %c0_i32, %c0_i32_0, %c0_i32_1 : i32, i32, i32
  }
  func.func @transform_4(%arg0: i32) -> (i32, i32) {
    %c0_i32 = arith.constant 0 : i32
    %c0_i32_0 = arith.constant 0 : i32
    %c0_i32_1 = arith.constant 0 : i32
    return %c0_i32, %c0_i32_0 : i32, i32
  }
  func.func @transform_5(%arg0: i32) -> (i32, i32) {
    %c0_i32 = arith.constant 0 : i32
    %c0_i32_0 = arith.constant 0 : i32
    %c0_i32_1 = arith.constant 0 : i32
    return %c0_i32, %c0_i32_0 : i32, i32
  }
  func.func @transform_6(%arg0: i32) -> (i32, i32, i32, i32) {
    %c0_i32 = arith.constant 0 : i32
    %c0_i32_0 = arith.constant 0 : i32
    %c0_i32_1 = arith.constant 0 : i32
    %c0_i32_2 = arith.constant 0 : i32
    return %c0_i32, %c0_i32_0, %arg0, %c0_i32_1 : i32, i32, i32, i32
  }
  func.func @transform_7(%arg0: i32) -> (i32, i32) {
    %c0_i32 = arith.constant 0 : i32
    %c0_i32_0 = arith.constant 0 : i32
    return %arg0, %c0_i32 : i32, i32
  }
}

module attributes {stable_mosaic.version = 14 : i64} {
  func.func @_stage_f_body(%arg0: i32, %arg1: memref<2000x64xf32, #tpu.memory_space<vmem>>, %arg2: memref<2x2x2000x32xf32, #tpu.memory_space<vmem>>, %arg3: memref<64x1xf32, #tpu.memory_space<vmem>>, %arg4: memref<1x1xf32, #tpu.memory_space<vmem>>, %arg5: memref<64x5xf32, #tpu.memory_space<vmem>>, %arg6: memref<1x5xf32, #tpu.memory_space<vmem>>, %arg7: memref<2000x1xf32, #tpu.memory_space<vmem>>, %arg8: memref<2000x5xf32, #tpu.memory_space<vmem>>) attributes {dimension_semantics = [#tpu.dimension_semantics<arbitrary>], iteration_bounds = array<i64: 25>, scalar_prefetch = 0 : i64, scratch_operands = 0 : i64, tpu.core_type = #tpu.core_type<tc>, window_params = [{transform_indices = @transform_0, window_bounds = array<i64: 2000, 64>}, {transform_indices = @transform_1, window_bounds = array<i64: 2, 2, 2000, 32>}, {pipeline_mode = #tpu.pipeline_mode<synchronous>, transform_indices = @transform_2, window_bounds = array<i64: 64, 1>}, {pipeline_mode = #tpu.pipeline_mode<synchronous>, transform_indices = @transform_3, window_bounds = array<i64: 1, 1>}, {pipeline_mode = #tpu.pipeline_mode<synchronous>, transform_indices = @transform_4, window_bounds = array<i64: 64, 5>}, {pipeline_mode = #tpu.pipeline_mode<synchronous>, transform_indices = @transform_5, window_bounds = array<i64: 1, 5>}, {transform_indices = @transform_6, window_bounds = array<i64: 2000, 1>}, {transform_indices = @transform_7, window_bounds = array<i64: 2000, 5>}]} {
    %get3A = arith.constant 0 : index
    %get3A_0 = arith.constant 0 : index
    %get3A_1 = vector.load %arg1[%get3A, %get3A_0] : memref<2000x64xf32, #tpu.memory_space<vmem>>, vector<2000x64xf32>
    %get3A_2 = arith.constant 0 : index
    %get3A_3 = arith.constant 0 : index
    %get3A_4 = arith.constant 0 : index
    %get3A_5 = arith.constant 0 : index
    %get3A_6 = vector.load %arg2[%get3A_2, %get3A_3, %get3A_4, %get3A_5] : memref<2x2x2000x32xf32, #tpu.memory_space<vmem>>, vector<1x1x2000x32xf32>
    %get3A_7 = vector.shape_cast %get3A_6 : vector<1x1x2000x32xf32> to vector<2000x32xf32>
    %get3A_8 = arith.constant 1 : index
    %get3A_9 = arith.constant 0 : index
    %get3A_10 = arith.constant 0 : index
    %get3A_11 = arith.constant 0 : index
    %get3A_12 = vector.load %arg2[%get3A_8, %get3A_9, %get3A_10, %get3A_11] : memref<2x2x2000x32xf32, #tpu.memory_space<vmem>>, vector<1x1x2000x32xf32>
    %get3A_13 = vector.shape_cast %get3A_12 : vector<1x1x2000x32xf32> to vector<2000x32xf32>
    %concatenate3A = tpu.concatenate %get3A_7, %get3A_13 in 1 : vector<2000x32xf32>, vector<2000x32xf32> -> vector<2000x64xf32>
    %is_finite3A = tpu.weird %concatenate3A : vector<2000x64xf32> -> vector<2000x64xi1>
    %is_finite3A_14 = arith.constant dense<true> : vector<2000x64xi1>
    %is_finite3A_15 = arith.xori %is_finite3A, %is_finite3A_14 : vector<2000x64xi1>
    %jit3A = arith.constant 0.000000e+00 : f32
    %broadcast_in_dim3A = vector.broadcast %jit3A : f32 to vector<2000x64xf32>
    %select_n3A = arith.select %is_finite3A_15, %concatenate3A, %broadcast_in_dim3A : vector<2000x64xi1>, vector<2000x64xf32>
    %add3A = arith.addf %get3A_1, %select_n3A : vector<2000x64xf32>
    %get3A_16 = arith.constant 0 : index
    %get3A_17 = arith.constant 1 : index
    %get3A_18 = arith.constant 0 : index
    %get3A_19 = arith.constant 0 : index
    %get3A_20 = vector.load %arg2[%get3A_16, %get3A_17, %get3A_18, %get3A_19] : memref<2x2x2000x32xf32, #tpu.memory_space<vmem>>, vector<1x1x2000x32xf32>
    %get3A_21 = vector.shape_cast %get3A_20 : vector<1x1x2000x32xf32> to vector<2000x32xf32>
    %get3A_22 = arith.constant 1 : index
    %get3A_23 = arith.constant 1 : index
    %get3A_24 = arith.constant 0 : index
    %get3A_25 = arith.constant 0 : index
    %get3A_26 = vector.load %arg2[%get3A_22, %get3A_23, %get3A_24, %get3A_25] : memref<2x2x2000x32xf32, #tpu.memory_space<vmem>>, vector<1x1x2000x32xf32>
    %get3A_27 = vector.shape_cast %get3A_26 : vector<1x1x2000x32xf32> to vector<2000x32xf32>
    %concatenate3A_28 = tpu.concatenate %get3A_21, %get3A_27 in 1 : vector<2000x32xf32>, vector<2000x32xf32> -> vector<2000x64xf32>
    %is_finite3A_29 = tpu.weird %concatenate3A_28 : vector<2000x64xf32> -> vector<2000x64xi1>
    %is_finite3A_30 = arith.constant dense<true> : vector<2000x64xi1>
    %is_finite3A_31 = arith.xori %is_finite3A_29, %is_finite3A_30 : vector<2000x64xi1>
    %jit3A_32 = arith.constant 0.000000e+00 : f32
    %broadcast_in_dim3A_33 = vector.broadcast %jit3A_32 : f32 to vector<2000x64xf32>
    %select_n3A_34 = arith.select %is_finite3A_31, %concatenate3A_28, %broadcast_in_dim3A_33 : vector<2000x64xi1>, vector<2000x64xf32>
    %add3A_35 = arith.addf %add3A, %select_n3A_34 : vector<2000x64xf32>
    %max3A = arith.constant 0.000000e+00 : f32
    %max3A_36 = vector.broadcast %max3A : f32 to vector<2000x64xf32>
    %max3A_37 = arith.maximumf %add3A_35, %max3A_36 : vector<2000x64xf32>
    %get3A_38 = arith.constant 0 : index
    %get3A_39 = arith.constant 0 : index
    %get3A_40 = vector.load %arg3[%get3A_38, %get3A_39] : memref<64x1xf32, #tpu.memory_space<vmem>>, vector<64x1xf32>
    %dot_general3A = arith.constant dense<0.000000e+00> : vector<2000x1xf32>
    %dot_general3A_41 = tpu.matmul %max3A_37, %get3A_40, %dot_general3A {dimension_numbers = #tpu.dot_dimension_numbers<[1], [0], [0], [1], [0, 0, 1, 1], [], []>, transpose_lhs_hint = false} : vector<2000x64xf32>, vector<64x1xf32>, vector<2000x1xf32> -> vector<2000x1xf32>
    %get3A_42 = arith.constant 0 : index
    %get3A_43 = arith.constant 0 : index
    %get3A_44 = vector.load %arg4[%get3A_42, %get3A_43] : memref<1x1xf32, #tpu.memory_space<vmem>>, vector<1x1xf32>
    %add3A_45 = vector.broadcast %get3A_44 : vector<1x1xf32> to vector<2000x1xf32>
    %add3A_46 = arith.addf %dot_general3A_41, %add3A_45 : vector<2000x1xf32>
    %swap3A = arith.constant 0 : index
    %swap3A_47 = arith.constant 0 : index
    %swap3A_48 = vector.load %arg7[%swap3A, %swap3A_47] : memref<2000x1xf32, #tpu.memory_space<vmem>>, vector<2000x1xf32>
    tpu.vector_store %arg7[%swap3A, %swap3A_47], %add3A_46 {strides = array<i32>} : memref<2000x1xf32, #tpu.memory_space<vmem>>, vector<2000x1xf32>,
    %get3A_49 = arith.constant 0 : index
    %get3A_50 = arith.constant 0 : index
    %get3A_51 = vector.load %arg5[%get3A_49, %get3A_50] : memref<64x5xf32, #tpu.memory_space<vmem>>, vector<64x5xf32>
    %dot_general3A_52 = arith.constant dense<0.000000e+00> : vector<2000x5xf32>
    %dot_general3A_53 = tpu.matmul %max3A_37, %get3A_51, %dot_general3A_52 {dimension_numbers = #tpu.dot_dimension_numbers<[1], [0], [0], [1], [0, 0, 1, 1], [], []>, transpose_lhs_hint = false} : vector<2000x64xf32>, vector<64x5xf32>, vector<2000x5xf32> -> vector<2000x5xf32>
    %get3A_54 = arith.constant 0 : index
    %get3A_55 = arith.constant 0 : index
    %get3A_56 = vector.load %arg6[%get3A_54, %get3A_55] : memref<1x5xf32, #tpu.memory_space<vmem>>, vector<1x5xf32>
    %add3A_57 = vector.broadcast %get3A_56 : vector<1x5xf32> to vector<2000x5xf32>
    %add3A_58 = arith.addf %dot_general3A_53, %add3A_57 : vector<2000x5xf32>
    %swap3A_59 = arith.constant 0 : index
    %swap3A_60 = arith.constant 0 : index
    %swap3A_61 = vector.load %arg8[%swap3A_59, %swap3A_60] : memref<2000x5xf32, #tpu.memory_space<vmem>>, vector<2000x5xf32>
    tpu.vector_store %arg8[%swap3A_59, %swap3A_60], %add3A_58 {strides = array<i32>} : memref<2000x5xf32, #tpu.memory_space<vmem>>, vector<2000x5xf32>,
    return
  }
  func.func @transform_0(%arg0: i32) -> (i32, i32) {
    %c0_i32 = arith.constant 0 : i32
    %c0_i32_0 = arith.constant 0 : i32
    return %arg0, %c0_i32 : i32, i32
  }
  func.func @transform_1(%arg0: i32) -> (i32, i32, i32, i32) {
    %c0_i32 = arith.constant 0 : i32
    %c0_i32_0 = arith.constant 0 : i32
    %c0_i32_1 = arith.constant 0 : i32
    %c0_i32_2 = arith.constant 0 : i32
    return %c0_i32, %c0_i32_0, %arg0, %c0_i32_1 : i32, i32, i32, i32
  }
  func.func @transform_2(%arg0: i32) -> (i32, i32) {
    %c0_i32 = arith.constant 0 : i32
    %c0_i32_0 = arith.constant 0 : i32
    %c0_i32_1 = arith.constant 0 : i32
    return %c0_i32, %c0_i32_0 : i32, i32
  }
  func.func @transform_3(%arg0: i32) -> (i32, i32) {
    %c0_i32 = arith.constant 0 : i32
    %c0_i32_0 = arith.constant 0 : i32
    %c0_i32_1 = arith.constant 0 : i32
    return %c0_i32, %c0_i32_0 : i32, i32
  }
  func.func @transform_4(%arg0: i32) -> (i32, i32) {
    %c0_i32 = arith.constant 0 : i32
    %c0_i32_0 = arith.constant 0 : i32
    %c0_i32_1 = arith.constant 0 : i32
    return %c0_i32, %c0_i32_0 : i32, i32
  }
  func.func @transform_5(%arg0: i32) -> (i32, i32) {
    %c0_i32 = arith.constant 0 : i32
    %c0_i32_0 = arith.constant 0 : i32
    %c0_i32_1 = arith.constant 0 : i32
    return %c0_i32, %c0_i32_0 : i32, i32
  }
  func.func @transform_6(%arg0: i32) -> (i32, i32) {
    %c0_i32 = arith.constant 0 : i32
    %c0_i32_0 = arith.constant 0 : i32
    return %arg0, %c0_i32 : i32, i32
  }
  func.func @transform_7(%arg0: i32) -> (i32, i32) {
    %c0_i32 = arith.constant 0 : i32
    %c0_i32_0 = arith.constant 0 : i32
    return %arg0, %c0_i32 : i32, i32
  }
}

</mosaic_0001>

<sc_bundles>
// kernel: kernel.7.cloned.1.call-start
scs
__scs_entry_jumppad:
0x0: {  	(pc) =	sbr.rel $0x88, $3  }
0x1: {  	(tag) =	ssettag $0x0;
	lr =	simm.s32 $0x1  }
0x2: {  	[smem:$0x3F8E] =	sst lr;
	_ =	strace $0xD0000000  }
0x3: {  	_ = 	snop  }
0x4: {  	_ = 	snop  }
0x5: {  	_ = 	snop  }
0x6: {  	_ = 	snop  }
0x7: {  	_ = 	snop  }
__scs_overlays_trampoline_lowered:
0x8: {  	[smem:$0x3F9D] =	sst s0  }
0x9: {  	[smem:$0x3F9E] =	sst s1  }
0xa: {  	[smem:$0x3F9F] =	sst s2  }
0xb: {  	[smem:$0x3FA0] =	sst s3  }
0xc: {  	[smem:$0x3FA1] =	sst s4  }
0xd: {  	[smem:$0x3FA2] =	sst s5  }
0xe: {  	[smem:$0x3FA3] =	sst s6  }
0xf: {  	[smem:$0x3FA4] =	sst s7  }
0x10: {  	[smem:$0x3FA5] =	sst s8  }
0x11: {  	[smem:$0x3FA6] =	sst s9;
	s0 =	simm.s32 @!p0 $0x0  }
0x12: {  	s1 =	sld [smem:$0x3F8C];
	s0 =	simm.s32 @p0 $0x1  }
0x13: {  	[smem:$0x3FA7] =	sst s0;
	s0 =	simm.s32 @!p1 $0x0  }
0x14: {  	s2 =	sld [smem:$0x3F8B];
	s0 =	simm.s32 @p1 $0x1  }
0x15: {  	[smem:$0x3FA8] =	sst s0;
	s0 =	simm.s32 @!p2 $0x0  }
0x16: {  	s3 =	sld [smem:$0x3FDB];
	s0 =	simm.s32 @p2 $0x1  }
0x17: {  	s4 =	simm.s32 $0x1BF5;
	[smem:$0x3FAA] =	sst s0  }
0x18: {  	s0 =	sld [smem:$0x3F8D];
	_ =	swait.ge [sflag:s4], $0x0  }
0x19: {  	s7 =	sld [smem:$0x3F8E]  }
0x1a: {  	s8 =	sadd.s32 $0xFFFFE003, lr  }
0x1b: {  	s9 =	sadd.s32 $0xFFFFFEF7, lr;
	s5 =	simm.s32 $0xFFFFFFFF;
	p2 =	slt.u32 s8, $0xFFFFF086  }
0x1c: {  	p1 =	slt.u32 s9, $0xF7A;
	s5 =	simm.s32 @!p2 $0x0  }
0x1d: {  	s5 =	simm.s32 @p1 $0x1;
	p0 =	seq.s32 s7, s2  }
0x1e: {  	s7 =	smul.u32 @!p0 $0xF7A, s2;
	p2 =	seq.s32 @!p0 s5, $0x0  }
0x1f: {  	s9 =	smul.u32 $0xF7A, s1;
	s8 =	simm.s32 @!p0 $0x1BF5;
	p2 =	por !p2, p0  }
0x20: {  	[sflag:s8] =	ssyncset.s32 @!p0 $0xFFFFF086;
	s6 =	sadd.s32 @!p0 s3, s7;
	s7 =	simm.s32 @!p0 $0x108  }
0x21: {  	s3 =	sadd.s32 s3, s9;
	s6 =	sadd.s32 @!p0 $0x88, s6;
	s7 =	simm.s32 @p2 $0x1082  }
0x22: {  	[simem:s7], [sflag:s8] =	dma.local @!p0 [hbm:s6], $0xF7A  }
0x23: {  	s9 =	sor.u32 $0xD0000000, s2;
	s6 =	simm.s32 $0x108;
	_ =	swait.ge @!p0 [sflag:s8], $0x0  }
0x24: {  	s3 =	sadd.s32 $0x88, s3;
	s6 =	simm.s32 @!p1 $0x1082;
	[sflag:s4] =	ssyncset.s32 $0xFFFFF086  }
0x25: {  	[simem:s6], [sflag:s4] =	dma.local [hbm:s3], $0xF7A  }
0x26: {  	[smem:$0x3F8E] =	sst s1;
	(tag) =	ssettag s2;
	_ =	strace s9  }
0x27: {  	s1 =	sld [smem:$0x3F9E]  }
0x28: {  	s2 =	sld [smem:$0x3F9F]  }
0x29: {  	s4 =	sld [smem:$0x3FA1]  }
0x2a: {  	p0 =	seq.s32 s5, $0x0;
	s5 =	sld [smem:$0x3FA2]  }
0x2b: {  	s6 =	sld [smem:$0x3FA3]  }
0x2c: {  	s7 =	sld [smem:$0x3FA4]  }
0x2d: {  	s3 =	simm.s32 $0x108;
	s8 =	sld [smem:$0x3FA5]  }
0x2e: {  	s3 =	simm.s32 @!p0 $0x1082;
	s9 =	sld [smem:$0x3FA6]  }
0x2f: {  	lr =	sadd.s32 s0, s3;
	s0 =	sld [smem:$0x3F9D]  }
0x30: {  	s3 =	sld [smem:$0x3FA0]  }
0x31: {  	[smem:$0x3FA9] =	sst s10  }
0x32: {  	s10 =	sld [smem:$0x3FA7];
	_ =	sdelay $0x3  }
0x33: {  	p0 =	seq.s32 s10, $0x1;
	s10 =	sld [smem:$0x3FA9];
	_ =	sdelay $0x3  }
0x34: {  	[smem:$0x3FA9] =	sst s10  }
0x35: {  	s10 =	sld [smem:$0x3FA8];
	_ =	sdelay $0x3  }
0x36: {  	p1 =	seq.s32 s10, $0x1;
	s10 =	sld [smem:$0x3FA9];
	_ =	sdelay $0x3  }
0x37: {  	[smem:$0x3FA9] =	sst s10  }
0x38: {  	s10 =	sld [smem:$0x3FAA]  }
0x39: {  	_ = 	snop;
	(pc) =	sbr.ind lr, $3  }
0x3a: {  	_ = 	snop  }
0x3b: {  	_ = 	snop  }
0x3c: {  	p2 =	seq.s32 s10, $0x1;
	s10 =	sld [smem:$0x3FA9]  }
0x3d: {  	_ =	shalt  }
0x3e: {  	_ =	shalt  }
0x3f: {  	_ =	shalt  }
0x40: {  	_ =	shalt  }
0x41: {  	_ =	shalt  }
0x42: {  	_ =	shalt  }
0x43: {  	_ =	shalt  }
0x44: {  	_ =	shalt  }
0x45: {  	_ =	shalt  }
0x46: {  	_ =	shalt  }
0x47: {  	_ =	shalt  }
0x48: {  	_ =	shalt  }
0x49: {  	_ =	shalt  }
0x4a: {  	_ =	shalt  }
0x4b: {  	_ =	shalt  }
0x4c: {  	_ =	shalt  }
0x4d: {  	_ =	shalt  }
0x4e: {  	_ =	shalt  }
0x4f: {  	_ =	shalt  }
0x50: {  	_ =	shalt  }
0x51: {  	_ =	shalt  }
0x52: {  	_ =	shalt  }
0x53: {  	_ =	shalt  }
0x54: {  	_ =	shalt  }
0x55: {  	_ =	shalt  }
0x56: {  	_ =	shalt  }
0x57: {  	_ =	shalt  }
0x58: {  	_ =	shalt  }
0x59: {  	_ =	shalt  }
0x5a: {  	_ =	shalt  }
0x5b: {  	_ =	shalt  }
0x5c: {  	_ =	shalt  }
0x5d: {  	_ =	shalt  }
0x5e: {  	_ =	shalt  }
0x5f: {  	_ =	shalt  }
0x60: {  	_ =	shalt  }
0x61: {  	_ =	shalt  }
0x62: {  	_ =	shalt  }
0x63: {  	_ =	shalt  }
0x64: {  	_ =	shalt  }
0x65: {  	_ =	shalt  }
0x66: {  	_ =	shalt  }
0x67: {  	_ =	shalt  }
0x68: {  	_ =	shalt  }
0x69: {  	_ =	shalt  }
0x6a: {  	_ =	shalt  }
0x6b: {  	_ =	shalt  }
0x6c: {  	_ =	shalt  }
0x6d: {  	_ =	shalt  }
0x6e: {  	_ =	shalt  }
0x6f: {  	_ =	shalt  }
0x70: {  	_ =	shalt  }
0x71: {  	_ =	shalt  }
0x72: {  	_ =	shalt  }
0x73: {  	_ =	shalt  }
0x74: {  	_ =	shalt  }
0x75: {  	_ =	shalt  }
0x76: {  	_ =	shalt  }
0x77: {  	_ =	shalt  }
0x78: {  	_ =	shalt  }
0x79: {  	_ =	shalt  }
0x7a: {  	_ =	shalt  }
0x7b: {  	_ =	shalt  }
0x7c: {  	_ =	shalt  }
0x7d: {  	_ =	shalt  }
0x7e: {  	_ =	shalt  }
0x7f: {  	_ =	shalt  }
0x80: {  	_ =	shalt  }
0x81: {  	_ =	shalt  }
0x82: {  	_ =	shalt  }
0x83: {  	_ =	shalt  }
0x84: {  	_ =	shalt  }
0x85: {  	_ =	shalt  }
0x86: {  	_ =	shalt  }
0x87: {  	_ =	shalt  }
.Lfunc_end0:
.L_simem_size_0:
called_computation.1_lowered:
.L_overlay_start_0:
0x88: {  	s2 =	sld [smem:$0x3FD9]  }
0x89: {  	s3 =	sld [smem:$0x3FFE];
	_ =	sdelay $0x1  }
0x8a: {  	s1 =	srdreg.scid  }
0x8b: {  	s0 =	sand.u32 $0x1, s1  }
0x8c: {  	s16 =	sshll.u32 s0, $0xA;
	s2 =	sadd.s32 s3, s2  }
0x8d: {  	s2 =	sadd.s32 s2, s16  }
0x8e: {  	[smem:$0x3FB5] =	sst s2  }
0x8f: {  	_ = 	snop  }
0x90: {  	(tm) =	ssettm $0x1  }
0x91: {  	s17 =	sld [smem:$0x3FFB];
	_ =	sdelay $0x3  }
0x92: {  	_ =	strace s17  }
0x93: {  	s2 =	sld [smem:$0x3FFC];
	_ =	sdelay $0x3  }
0x94: {  	_ =	strace s2  }
0x95: {  	s2 =	sld [smem:$0x3FFD];
	_ =	sdelay $0x3  }
0x96: {  	_ =	strace s2  }
0x97: {  	_ =	strace $0x8FFFFFFF  }
0x98: {  	s18 =	sld [smem:$0x3FDB];
	_ =	sdelay $0x1  }
0x99: {  	s19 =	simm.s32 $_scs_section_size  }
0x9a: {  	s4 =	simm.s32 $_size__tile_overlayer_lowered;
	s5 =	simm.s32 $_tile_overlayer_lowered  }
0x9b: {  	s22 =	simm.s32 $0x1BFF;
	s21 =	sshll.u32 s5, $0x1;
	s2 =	sadd.s32 s19, s18  }
0x9c: {  	s6 =	simm.s32 $0x0;
	s20 =	sshll.u32 s4, $0x1;
	s4 =	sadd.s32 s21, s2  }
0x9d: {  	[timem:s6], [sflag:s22] =	dma.local [hbm:s4], s20  }
0x9e: {  	_ =	swait.ge [sflag:s22], s20  }
0x9f: {  	s3 =	ssub.s32 $0x0, s20;
	[sflag:s22] =	ssyncset.done $0x0  }
0xa0: {  	[sflag:s22] =	ssyncadd.s32 s3;
	_ =	sdelay $0x1  }
0xa1: {  	s23 =	simm.s32 $0x1B8B  }
0xa2: {  	_ =	swait.ge [sflag:s23], $0x1  }
0xa3: {  	[sflag:s23] =	ssyncset.done $0x0  }
0xa4: {  	s25 =	simm.s32 $0x1B8E;
	s24 =	sld [smem:$0x3FFE];
	[sflag:s23] =	ssyncadd.s32 $0xFFFFFFFF  }
0xa5: {  	s26 =	simm.s32 $execute0_lowered;
	[smem:$0x3FD2] =	sst s25  }
0xa6: {  	s4 =	sshll.u32 s26, $0x1;
	_ =	strace $0x80000046;
	[dreg:$0x1] =	wrdreg $0xFFFFFFFF  }
0xa7: {  	s28 =	simm.s32 $_size_execute0_lowered;
	s2 =	sadd.s32 s2, s4;
	[dreg:$0x0] =	wrdreg $0x0  }
0xa8: {  	s4 =	sshll.u32 s28, $0x1;
	[dreg:$0x2] =	wrdreg s2  }
0xa9: {  	[dreg:$0x3] =	wrdreg s4  }
0xaa: {  	[dreg:$0x4] =	wrdreg $0xC0  }
0xab: {  	_ =	task [dreg:s6], $0x5FFFF  }
0xac: {  	[dreg:$0x1] =	wrdreg $0xFFFFFFFF  }
0xad: {  	[dreg:$0x0] =	wrdreg $0x60  }
0xae: {  	[dreg:$0x2] =	wrdreg s24  }
0xaf: {  	[dreg:$0x3] =	wrdreg $0x67200  }
0xb0: {  	[dreg:$0x4] =	wrdreg $0x9  }
0xb1: {  	_ =	task.clear_ibuf [dreg:s6], $0x5FFFF;
	_ =	strace $0x90000046  }
0xb2: {  	s29 =	simm.s32 $0x9;
	_ =	strace $0x80000048  }
0xb3: {  	_ =	swait.ge [sflag:s29], $0x1  }
0xb4: {  	[sflag:s29] =	ssyncadd.s32 $0xFFFFFFFF  }
0xb5: {  	_ =	strace $0x90000048  }
0xb6: {  	_ =	sfence  }
0xb7: {  	s30 =	sld [smem:$0x0];
	_ =	sdelay $0x2  }
0xb8: {  	s31 =	sshll.u32 s1, $0xD;
	s1 =	sshrl.u32 s1, $0x2  }
0xb9: {  	s3 =	sand.u32 $0x4000, s31;
	s1 =	sadd.s32 s1, s30  }
0xba: {  	s0 =	sor.u32 s3, s0;
	s1 =	sshll.u32 s1, $0x11  }
0xbb: {  	s0 =	sor.u32 s1, s0  }
0xbc: {  	s0 =	sadd.s32 $0x8F2B, s0  }
0xbd: {  	[sflag:s0] =	ssyncadd.remote.s32 $0x1  }
0xbe: {  	_ =	sfence.sel $0xFFFF  }
0xbf: {  	[dreg:$0x0] =	wrdreg $0xFFFFFFFF;
	(pc) =	sbr.abs _section_cstart, $3  }
0xc0: {  	[dreg:$0x1] =	wrdreg $0xFFFFFFFF  }
0xc1: {  	_ =	task.clear_ibuf [dreg:s6], $0x2FFFF;
	_ =	strace $0x9FFFFFFF  }
0xc2: {  	(tm) =	ssettm $0x7FFFFFFF  }
0xc3: {  	_ =	shalt  }
tec
execute0_lowered:
.L_overlay_start_1:
0x0: {  	(tag) =	ssettag $0x1  }
0x1: {  	s0 =	srdreg.scid;
	s5 =	rddreg [dreg:$0x0]  }
0x2: {  	s2 =	rddreg [dreg:$0x1];
	s13 =	sand.u32 $0x1, s0  }
0x3: {  	s0 =	stileid.u32;
	s6 =	smul.u32 $0x30D400, s13  }
0x4: {  	s1 =	rddreg [dreg:$0x2];
	s3 =	simm.s32 $0x0;
	s7 =	smul.u32 $0x186A, s0  }
0x5: {  	s19 =	simm.s32 $0x2;
	s20 =	simm.s32 $0x190;
	s8 =	smul.u32 $0x30D4, s0  }
0x6: {  	s22 =	simm.s32 $0x3520;
	s23 =	simm.s32 $0x0;
	s9 =	smul.u32 $0x30D40, s13  }
0x7: {  	[smem:$0x7FF] =	sst s3;
	s4 =	sadd.s32 $0x669000, s5;
	s10 =	smul.u32 $0x61A80, s0  }
0x8: {  	_ =	strace $0x80000047;
	s26 =	ssub.s32 $0x2, s13;
	s18 =	smul.u32 $0x30D40, s0  }
0x9: {  	s21 =	smul.u32 $0x186A0, s13;
	s29 =	sshrl.u32 s26, $0x1;
	s15 =	sadd.s32 s6, s5  }
0xa: {  	s16 =	sadd.s32 s7, s5;
	s28 =	sadd.s32 s8, s9;
	s30 =	sshrl.u32 s10, $0x2  }
0xb: {  	s17 =	ssub.s32 s26, s29;
	v0 =	vmov s21;
	s21 =	simm.s32 $0x1;
	s14 =	sadd.s32 s28, s5  }
0xc: {  	s5 =	sadd.s32 s30, s2;
	s31 =	sadd.s32 s18, s15;
	s15 =	sadd.s32 $0x2200, s16  }
0xd: {  	s16 =	sadd.s32 $0x36000, s16;
	s18 =	simm.s32 $0x320;
	s6 =	sadd.s32 $0x3200, s5  }
0xe: {  	s7 =	sadd.s32 $0x6400, s5;
	s8 =	sadd.s32 $0x9600, s5;
	s9 =	sadd.s32 $0xC800, s5  }
0xf: {  	s10 =	sadd.s32 $0xFA00, s5;
	s11 =	sadd.s32 $0x12C00, s5;
	s12 =	sadd.s32 $0x15E00, s5  }
0x10: {  	v1 =	vimm.f32 $0.0e+00;
	s13 =	sadd.s32 $0x72C600, s14;
	s14 =	smax.u32 s17, $0x1;
	s17 =	sadd.s32 $0x4E800, s31  }
.LBB2_1:
0x11: {  	s24 =	simm.s32 $0x80;
	s25 =	simm.s32 $0x0  }
.LBB2_2:
0x12: {  	p0 =	sne.s32 s24, $0xC780;
	[tilespmem:s25+$0x320] =	vst v1;
	s26 =	smov.u32 s24;
	s24 =	sadd.s32 $0x80, s24  }
.Ltmp0:
0x13: {  	[tilespmem:s25+$0x330] =	vst v1;
	(pc) =	sbr.rel @p0 .LBB2_2-.Ltmp0, $2  }
0x14: {  	_ =	sdelay $0x2  }
0x15: {  	s25 =	sshra.s32 s26, $0x2  }
0x16: {  	[tilespmem:s25+$0x320] =	vst v1  }
0x17: {  	[tilespmem:s25+$0x330] =	vst v1  }
0x18: {  	[spmem:s5] =	stream.linear.scatter [tilespmem:s18], [sflag:$0x2], $0x3200, $0x38;
	[tilespmem:$0x1EDC0] =	vst v63  }
0x19: {  	_ =	swait.ge [sflag:s19], $0x3200  }
0x1a: {  	[sflag:s19] =	ssyncset.done $0x0  }
0x1b: {  	[sflag:s19] =	ssyncadd.s32 $0xFFFFCE00  }
0x1c: {  	[spmem:s6] =	stream.linear.scatter [tilespmem:s18], [sflag:$0x2], $0x3200, $0x38;
	[tilespmem:$0x1EDC0] =	vst v63  }
0x1d: {  	_ =	swait.ge [sflag:s19], $0x3200  }
0x1e: {  	[sflag:s19] =	ssyncset.done $0x0  }
0x1f: {  	[sflag:s19] =	ssyncadd.s32 $0xFFFFCE00  }
0x20: {  	[spmem:s7] =	stream.linear.scatter [tilespmem:s18], [sflag:$0x2], $0x3200, $0x38;
	[tilespmem:$0x1EDC0] =	vst v63  }
0x21: {  	_ =	swait.ge [sflag:s19], $0x3200  }
0x22: {  	[sflag:s19] =	ssyncset.done $0x0  }
0x23: {  	[sflag:s19] =	ssyncadd.s32 $0xFFFFCE00  }
0x24: {  	[spmem:s8] =	stream.linear.scatter [tilespmem:s18], [sflag:$0x2], $0x3200, $0x38;
	[tilespmem:$0x1EDC0] =	vst v63  }
0x25: {  	_ =	swait.ge [sflag:s19], $0x3200  }
0x26: {  	[sflag:s19] =	ssyncset.done $0x0  }
0x27: {  	[sflag:s19] =	ssyncadd.s32 $0xFFFFCE00  }
0x28: {  	[spmem:s9] =	stream.linear.scatter [tilespmem:s18], [sflag:$0x2], $0x3200, $0x38;
	[tilespmem:$0x1EDC0] =	vst v63  }
0x29: {  	_ =	swait.ge [sflag:s19], $0x3200  }
0x2a: {  	[sflag:s19] =	ssyncset.done $0x0  }
0x2b: {  	[sflag:s19] =	ssyncadd.s32 $0xFFFFCE00  }
0x2c: {  	[spmem:s10] =	stream.linear.scatter [tilespmem:s18], [sflag:$0x2], $0x3200, $0x38;
	[tilespmem:$0x1EDC0] =	vst v63  }
0x2d: {  	_ =	swait.ge [sflag:s19], $0x3200  }
0x2e: {  	[sflag:s19] =	ssyncset.done $0x0  }
0x2f: {  	[sflag:s19] =	ssyncadd.s32 $0xFFFFCE00  }
0x30: {  	[spmem:s11] =	stream.linear.scatter [tilespmem:s18], [sflag:$0x2], $0x3200, $0x38;
	[tilespmem:$0x1EDC0] =	vst v63  }
0x31: {  	_ =	swait.ge [sflag:s19], $0x3200  }
0x32: {  	[sflag:s19] =	ssyncset.done $0x0  }
0x33: {  	[sflag:s19] =	ssyncadd.s32 $0xFFFFCE00  }
0x34: {  	[spmem:s12] =	stream.linear.scatter [tilespmem:s18], [sflag:$0x2], $0x28A0, $0x38;
	[tilespmem:$0x1EDC0] =	vst v63  }
0x35: {  	_ =	swait.ge [sflag:s19], $0x28A0  }
0x36: {  	[sflag:s19] =	ssyncset.done $0x0  }
0x37: {  	[sflag:s19] =	ssyncadd.s32 $0xFFFFD760  }
0x38: {  	s24 =	sadd.s32 $0x0, s16;
	[bflag:$0x0] =	sbarrier.arrive $0xFFFF  }
0x39: {  	[tilespmem:s3], [sflag:$0x2] =	stream.linear.gather [hbm4b:s24+s3], $0x190, $0x38;
	[tilespmem:$0x1EDC0] =	vst v63  }
0x3a: {  	_ =	swait.ge [sflag:s19], $0x190  }
0x3b: {  	[sflag:s19] =	ssyncset.done $0x0  }
0x3c: {  	s31 =	sadd.s32 $0x0, s15;
	[sflag:s19] =	ssyncadd.s32 $0xFFFFFE70  }
0x3d: {  	[tilespmem:s20], [sflag:$0x2] =	stream.linear.gather [hbm4b:s31+s3], $0x190, $0x38;
	[tilespmem:$0x1EDC0] =	vst v63  }
0x3e: {  	_ =	swait.ge [sflag:s19], $0x190  }
0x3f: {  	[sflag:s19] =	ssyncset.done $0x0  }
0x40: {  	[sflag:s19] =	ssyncadd.s32 $0xFFFFFE70  }
0x41: {  	v2 =	vld [tilespmem:$0x140]  }
0x42: {  	v3 =	vld [tilespmem:$0x150]  }
0x43: {  	v5 =	vld [tilespmem:$0xB0]  }
0x44: {  	v7 =	vld [tilespmem:$0x10]  }
0x45: {  	v4 =	vld [tilespmem:$0x160]  }
0x46: {  	v6 =	vld [tilespmem:$0x120];
	v2 =	vadd.s32 v0, v2  }
0x47: {  	v8 =	vld [tilespmem:$0x100];
	v3 =	vadd.s32 v0, v3;
	[tilespmem:$0x140] =	vst v2  }
0x48: {  	v5 =	vadd.s32 v0, v5;
	v2 =	vld [tilespmem:$0x20];
	[tilespmem:$0x150] =	vst v3  }
0x49: {  	v46 =	vld [tilespmem:$0x30];
	v48 =	vadd.s32 v0, v7;
	[tilespmem:$0xB0] =	vst v5  }
0x4a: {  	v47 =	vld [tilespmem:$0x180];
	v3 =	vadd.s32 v0, v4;
	[tilespmem:$0x10] =	vst v48  }
0x4b: {  	v49 =	vld [tilespmem:$0x70];
	[tilespmem:$0x160] =	vst v3;
	v3 =	vadd.s32 v0, v6  }
0x4c: {  	v51 =	vld [tilespmem:$0x80];
	[tilespmem:$0x120] =	vst v3;
	v3 =	vadd.s32 v0, v8  }
0x4d: {  	v56 =	vld [tilespmem:$0xA0];
	[tilespmem:$0x100] =	vst v3;
	v2 =	vadd.s32 v0, v2  }
0x4e: {  	v3 =	vld [tilespmem:$0xC0];
	[tilespmem:$0x20] =	vst v2;
	v2 =	vadd.s32 v0, v46  }
0x4f: {  	v52 =	vadd.s32 v0, v47;
	[tilespmem:$0x30] =	vst v2;
	v2 =	vld [tilespmem:$0x90]  }
0x50: {  	v53 =	vld [tilespmem:$0x60];
	v7 =	vadd.s32 v0, v49;
	[tilespmem:$0x180] =	vst v52  }
0x51: {  	v58 =	vld [tilespmem:$0x50];
	v55 =	vadd.s32 v0, v51;
	[tilespmem:$0x70] =	vst v7  }
0x52: {  	v50 =	vld [tilespmem:$0xD0];
	v59 =	vadd.s32 v0, v56;
	[tilespmem:$0x80] =	vst v55  }
0x53: {  	v54 =	vld [tilespmem:$0x40];
	[tilespmem:$0xA0] =	vst v59;
	v3 =	vadd.s32 v0, v3  }
0x54: {  	v57 =	vld [tilespmem:$0x0];
	[tilespmem:$0xC0] =	vst v3;
	v2 =	vadd.s32 v0, v2  }
0x55: {  	v3 =	vadd.s32 v0, v53;
	[tilespmem:$0x90] =	vst v2;
	v2 =	vld [tilespmem:$0xE0]  }
0x56: {  	v63 =	vadd.s32 v0, v58;
	[tilespmem:$0x60] =	vst v3;
	v3 =	vld [tilespmem:$0xF0]  }
0x57: {  	v62 =	vld [tilespmem:$0x170];
	v5 =	vadd.s32 v0, v50;
	[tilespmem:$0x50] =	vst v63  }
0x58: {  	v60 =	vld [tilespmem:$0x110];
	v4 =	vadd.s32 v0, v54;
	[tilespmem:$0xD0] =	vst v5  }
0x59: {  	v61 =	vld [tilespmem:$0x130];
	[tilespmem:$0x40] =	vst v4;
	v5 =	vadd.s32 v0, v57  }
0x5a: {  	[tilespmem:$0x0] =	vst v5;
	v2 =	vadd.s32 v0, v2  }
0x5b: {  	[tilespmem:$0xE0] =	vst v2;
	v2 =	vadd.s32 v0, v3  }
0x5c: {  	v3 =	vadd.s32 v0, v62;
	[tilespmem:$0xF0] =	vst v2  }
0x5d: {  	v2 =	vadd.s32 v0, v60;
	[tilespmem:$0x170] =	vst v3  }
0x5e: {  	[tilespmem:$0x110] =	vst v2;
	v2 =	vadd.s32 v0, v61  }
0x5f: {  	s26 =	sadd.s32 $0x640, s17;
	s25 =	simm.s32 $0x32;
	s28 =	simm.s32 $0x64;
	[tilespmem:$0x130] =	vst v2  }
0x60: {  	[tilespmem:s18], [sflag:$0x1] =	stream.indirect.gather [hbm4b:s4+s20], $0x20, s3, s20, $0xb8;
	[tilespmem:$0x1EDC0] =	vst v63  }
0x61: {  	s29 =	smov.u32 s17;
	s24 =	smov.u32 s26;
	_ =	swait.ge [sflag:s21], $0x3200  }
.LBB2_4:
0x62: {  	p0 =	sne.s32 s28, $0x1838;
	s26 =	sadd.s32 $0x640, s26;
	[sflag:s21] =	ssyncset.done $0x0  }
0x63: {  	s30 =	smov.u32 s28;
	s28 =	sadd.s32 $0x32, s28;
	[sflag:s21] =	ssyncadd.s32 $0xFFFFCE00  }
0x64: {  	[tilespmem:s22], [sflag:$0x2] =	stream.linear.gather [hbm4b:s29+s3], $0x3200, $0x38;
	[tilespmem:$0x1EDC0] =	vst v63  }
0x65: {  	s29 =	smov.u32 s24;
	s24 =	smov.u32 s26;
	_ =	swait.ge [sflag:s19], $0x3200  }
0x66: {  	[sflag:s19] =	ssyncset.done $0x0  }
0x67: {  	[sflag:s19] =	ssyncadd.s32 $0xFFFFCE00  }
0x68: {  	[spmem:s2] =	stream.indirect.scatter.add.f32 [tilespmem:s18], [sflag:$0x2], $0x20, s20, s20, $0xb8;
	[tilespmem:$0x1EDC0] =	vst v63  }
0x69: {  	_ =	swait.ge [sflag:s19], $0x3200  }
0x6a: {  	[sflag:s19] =	ssyncset.done $0x0  }
0x6b: {  	[sflag:s19] =	ssyncadd.s32 $0xFFFFCE00  }
0x6c: {  	[spmem:s2] =	stream.indirect.scatter.add.f32 [tilespmem:s22], [sflag:$0x2], $0x20, s20, s20, $0xb8;
	[tilespmem:$0x1EDC0] =	vst v63  }
0x6d: {  	_ =	swait.ge [sflag:s19], $0x3200  }
0x6e: {  	[sflag:s19] =	ssyncset.done $0x0  }
0x6f: {  	s31 =	sadd.s32 s25, s16;
	[sflag:s19] =	ssyncadd.s32 $0xFFFFCE00  }
0x70: {  	[tilespmem:s3], [sflag:$0x2] =	stream.linear.gather [hbm4b:s31+s3], $0x190, $0x38;
	[tilespmem:$0x1EDC0] =	vst v63  }
0x71: {  	_ =	swait.ge [sflag:s19], $0x190  }
0x72: {  	[sflag:s19] =	ssyncset.done $0x0  }
0x73: {  	s31 =	sadd.s32 s25, s15;
	s25 =	smov.u32 s30;
	[sflag:s19] =	ssyncadd.s32 $0xFFFFFE70  }
0x74: {  	[tilespmem:s20], [sflag:$0x2] =	stream.linear.gather [hbm4b:s31+s3], $0x190, $0x38;
	[tilespmem:$0x1EDC0] =	vst v63  }
0x75: {  	_ =	swait.ge [sflag:s19], $0x190  }
0x76: {  	[sflag:s19] =	ssyncset.done $0x0  }
0x77: {  	[sflag:s19] =	ssyncadd.s32 $0xFFFFFE70  }
0x78: {  	v2 =	vld [tilespmem:$0x150]  }
0x79: {  	v3 =	vld [tilespmem:$0x140]  }
0x7a: {  	v4 =	vld [tilespmem:$0x120]  }
0x7b: {  	v5 =	vld [tilespmem:$0x160]  }
0x7c: {  	v6 =	vld [tilespmem:$0xB0]  }
0x7d: {  	v7 =	vld [tilespmem:$0x100]  }
0x7e: {  	v2 =	vadd.s32 v0, v2;
	v8 =	vld [tilespmem:$0x10];
	v3 =	vadd.s32 v0, v3  }
0x7f: {  	v4 =	vadd.s32 v0, v4;
	[tilespmem:$0x140] =	vst v3;
	v3 =	vld [tilespmem:$0x180]  }
0x80: {  	v9 =	vld [tilespmem:$0x20];
	[tilespmem:$0x150] =	vst v2;
	v2 =	vadd.s32 v0, v5  }
0x81: {  	v5 =	vld [tilespmem:$0x30];
	v6 =	vadd.s32 v0, v6;
	[tilespmem:$0x160] =	vst v2  }
0x82: {  	[tilespmem:$0xB0] =	vst v6;
	v2 =	vld [tilespmem:$0xC0];
	v6 =	vadd.s32 v0, v7  }
0x83: {  	v7 =	vadd.s32 v0, v8;
	v8 =	vld [tilespmem:$0x70];
	[tilespmem:$0x120] =	vst v4  }
0x84: {  	[tilespmem:$0x10] =	vst v7;
	v4 =	vld [tilespmem:$0xD0];
	v3 =	vadd.s32 v0, v3  }
0x85: {  	v7 =	vadd.s32 v0, v9;
	v9 =	vld [tilespmem:$0x80];
	[tilespmem:$0x100] =	vst v6  }
0x86: {  	[tilespmem:$0x20] =	vst v7;
	v5 =	vadd.s32 v0, v5;
	v6 =	vld [tilespmem:$0x170]  }
0x87: {  	[tilespmem:$0x30] =	vst v5;
	v5 =	vld [tilespmem:$0x90];
	v2 =	vadd.s32 v0, v2  }
0x88: {  	v7 =	vld [tilespmem:$0x60];
	v8 =	vadd.s32 v0, v8;
	[tilespmem:$0x180] =	vst v3  }
0x89: {  	v3 =	vld [tilespmem:$0x40];
	[tilespmem:$0x70] =	vst v8;
	v4 =	vadd.s32 v0, v4  }
0x8a: {  	v8 =	vadd.s32 v0, v9;
	v9 =	vld [tilespmem:$0xA0];
	[tilespmem:$0xD0] =	vst v4  }
0x8b: {  	v4 =	vld [tilespmem:$0x0];
	[tilespmem:$0x80] =	vst v8;
	v6 =	vadd.s32 v0, v6  }
0x8c: {  	v8 =	vld [tilespmem:$0x50];
	v5 =	vadd.s32 v0, v5;
	[tilespmem:$0xC0] =	vst v2  }
0x8d: {  	v2 =	vadd.s32 v0, v7;
	[tilespmem:$0x90] =	vst v5;
	v5 =	vld [tilespmem:$0xE0]  }
0x8e: {  	v3 =	vadd.s32 v0, v3;
	[tilespmem:$0x60] =	vst v2;
	v2 =	vld [tilespmem:$0xF0]  }
0x8f: {  	[tilespmem:$0x40] =	vst v3;
	v3 =	vadd.s32 v0, v9;
	v7 =	vld [tilespmem:$0x110]  }
0x90: {  	v4 =	vadd.s32 v0, v4;
	[tilespmem:$0xA0] =	vst v3;
	v3 =	vld [tilespmem:$0x130]  }
0x91: {  	[tilespmem:$0x0] =	vst v4;
	v4 =	vadd.s32 v0, v8  }
0x92: {  	[tilespmem:$0x50] =	vst v4;
	v4 =	vadd.s32 v0, v5  }
0x93: {  	[tilespmem:$0xE0] =	vst v4;
	v2 =	vadd.s32 v0, v2  }
0x94: {  	[tilespmem:$0xF0] =	vst v2;
	v2 =	vadd.s32 v0, v7  }
.Ltmp1:
0x95: {  	[tilespmem:$0x110] =	vst v2;
	v2 =	vadd.s32 v0, v3;
	(pc) =	sbr.rel @p0 .LBB2_4-.Ltmp1, $4  }
0x96: {  	[tilespmem:$0x130] =	vst v2  }
0x97: {  	[tilespmem:$0x170] =	vst v6  }
0x98: {  	[tilespmem:s18], [sflag:$0x1] =	stream.indirect.gather [hbm4b:s4+s20], $0x20, s3, s20, $0xb8;
	[tilespmem:$0x1EDC0] =	vst v63  }
0x99: {  	_ =	swait.ge [sflag:s21], $0x3200  }
0x9a: {  	[sflag:s21] =	ssyncset.done $0x0  }
0x9b: {  	[sflag:s21] =	ssyncadd.s32 $0xFFFFCE00  }
0x9c: {  	[tilespmem:s22], [sflag:$0x2] =	stream.linear.gather [hbm4b:s29+s3], $0x3200, $0x38;
	[tilespmem:$0x1EDC0] =	vst v63  }
0x9d: {  	_ =	swait.ge [sflag:s19], $0x3200  }
0x9e: {  	[sflag:s19] =	ssyncset.done $0x0  }
0x9f: {  	[sflag:s19] =	ssyncadd.s32 $0xFFFFCE00  }
0xa0: {  	[spmem:s2] =	stream.indirect.scatter.add.f32 [tilespmem:s18], [sflag:$0x2], $0x20, s20, s20, $0xb8;
	[tilespmem:$0x1EDC0] =	vst v63  }
0xa1: {  	_ =	swait.ge [sflag:s19], $0x3200  }
0xa2: {  	[sflag:s19] =	ssyncset.done $0x0  }
0xa3: {  	[sflag:s19] =	ssyncadd.s32 $0xFFFFCE00  }
0xa4: {  	[spmem:s2] =	stream.indirect.scatter.add.f32 [tilespmem:s22], [sflag:$0x2], $0x20, s20, s20, $0xb8;
	[tilespmem:$0x1EDC0] =	vst v63  }
0xa5: {  	_ =	swait.ge [sflag:s19], $0x3200  }
0xa6: {  	[sflag:s19] =	ssyncset.done $0x0  }
0xa7: {  	s26 =	sadd.s32 s25, s16;
	[sflag:s19] =	ssyncadd.s32 $0xFFFFCE00  }
0xa8: {  	[tilespmem:s3], [sflag:$0x2] =	stream.linear.gather [hbm4b:s26+s3], $0x190, $0x38;
	[tilespmem:$0x1EDC0] =	vst v63  }
0xa9: {  	_ =	swait.ge [sflag:s19], $0x190  }
0xaa: {  	[sflag:s19] =	ssyncset.done $0x0  }
0xab: {  	s29 =	sadd.s32 s25, s15;
	[sflag:s19] =	ssyncadd.s32 $0xFFFFFE70  }
0xac: {  	[tilespmem:s20], [sflag:$0x2] =	stream.linear.gather [hbm4b:s29+s3], $0x190, $0x38;
	[tilespmem:$0x1EDC0] =	vst v63  }
0xad: {  	_ =	swait.ge [sflag:s19], $0x190  }
0xae: {  	[sflag:s19] =	ssyncset.done $0x0  }
0xaf: {  	[sflag:s19] =	ssyncadd.s32 $0xFFFFFE70  }
0xb0: {  	v2 =	vld [tilespmem:$0x140]  }
0xb1: {  	v3 =	vld [tilespmem:$0x150]  }
0xb2: {  	v5 =	vld [tilespmem:$0xB0]  }
0xb3: {  	v7 =	vld [tilespmem:$0x10]  }
0xb4: {  	v4 =	vld [tilespmem:$0x160]  }
0xb5: {  	v6 =	vld [tilespmem:$0x120];
	v2 =	vadd.s32 v0, v2  }
0xb6: {  	v8 =	vld [tilespmem:$0x100];
	v3 =	vadd.s32 v0, v3;
	[tilespmem:$0x140] =	vst v2  }
0xb7: {  	v5 =	vadd.s32 v0, v5;
	v2 =	vld [tilespmem:$0x20];
	[tilespmem:$0x150] =	vst v3  }
0xb8: {  	v46 =	vld [tilespmem:$0x30];
	v48 =	vadd.s32 v0, v7;
	[tilespmem:$0xB0] =	vst v5  }
0xb9: {  	v47 =	vld [tilespmem:$0x180];
	v3 =	vadd.s32 v0, v4;
	[tilespmem:$0x10] =	vst v48  }
0xba: {  	v49 =	vld [tilespmem:$0x70];
	[tilespmem:$0x160] =	vst v3;
	v3 =	vadd.s32 v0, v6  }
0xbb: {  	v51 =	vld [tilespmem:$0x80];
	[tilespmem:$0x120] =	vst v3;
	v3 =	vadd.s32 v0, v8  }
0xbc: {  	v56 =	vld [tilespmem:$0xA0];
	[tilespmem:$0x100] =	vst v3;
	v2 =	vadd.s32 v0, v2  }
0xbd: {  	v3 =	vld [tilespmem:$0xC0];
	[tilespmem:$0x20] =	vst v2;
	v2 =	vadd.s32 v0, v46  }
0xbe: {  	v52 =	vadd.s32 v0, v47;
	[tilespmem:$0x30] =	vst v2;
	v2 =	vld [tilespmem:$0x90]  }
0xbf: {  	v53 =	vld [tilespmem:$0x60];
	v7 =	vadd.s32 v0, v49;
	[tilespmem:$0x180] =	vst v52  }
0xc0: {  	v58 =	vld [tilespmem:$0x50];
	v55 =	vadd.s32 v0, v51;
	[tilespmem:$0x70] =	vst v7  }
0xc1: {  	v50 =	vld [tilespmem:$0xD0];
	v59 =	vadd.s32 v0, v56;
	[tilespmem:$0x80] =	vst v55  }
0xc2: {  	v54 =	vld [tilespmem:$0x40];
	[tilespmem:$0xA0] =	vst v59;
	v3 =	vadd.s32 v0, v3  }
0xc3: {  	v57 =	vld [tilespmem:$0x0];
	[tilespmem:$0xC0] =	vst v3;
	v2 =	vadd.s32 v0, v2  }
0xc4: {  	v3 =	vadd.s32 v0, v53;
	[tilespmem:$0x90] =	vst v2;
	v2 =	vld [tilespmem:$0xE0]  }
0xc5: {  	v63 =	vadd.s32 v0, v58;
	[tilespmem:$0x60] =	vst v3;
	v3 =	vld [tilespmem:$0xF0]  }
0xc6: {  	v62 =	vld [tilespmem:$0x170];
	v5 =	vadd.s32 v0, v50;
	[tilespmem:$0x50] =	vst v63  }
0xc7: {  	v60 =	vld [tilespmem:$0x110];
	v4 =	vadd.s32 v0, v54;
	[tilespmem:$0xD0] =	vst v5  }
0xc8: {  	v61 =	vld [tilespmem:$0x130];
	[tilespmem:$0x40] =	vst v4;
	v5 =	vadd.s32 v0, v57  }
0xc9: {  	[tilespmem:$0x0] =	vst v5;
	v2 =	vadd.s32 v0, v2  }
0xca: {  	[tilespmem:$0xE0] =	vst v2;
	v2 =	vadd.s32 v0, v3  }
0xcb: {  	v3 =	vadd.s32 v0, v62;
	[tilespmem:$0xF0] =	vst v2  }
0xcc: {  	v2 =	vadd.s32 v0, v60;
	[tilespmem:$0x170] =	vst v3  }
0xcd: {  	[tilespmem:$0x110] =	vst v2;
	v2 =	vadd.s32 v0, v61  }
0xce: {  	[tilespmem:$0x130] =	vst v2  }
0xcf: {  	[tilespmem:s18], [sflag:$0x1] =	stream.indirect.gather [hbm4b:s4+s20], $0x20, s3, s20, $0xb8;
	[tilespmem:$0x1EDC0] =	vst v63  }
0xd0: {  	_ =	swait.ge [sflag:s21], $0x3200  }
0xd1: {  	[sflag:s21] =	ssyncset.done $0x0  }
0xd2: {  	[sflag:s21] =	ssyncadd.s32 $0xFFFFCE00  }
0xd3: {  	[tilespmem:s22], [sflag:$0x2] =	stream.linear.gather [hbm4b:s24+s3], $0x3200, $0x38;
	[tilespmem:$0x1EDC0] =	vst v63  }
0xd4: {  	_ =	swait.ge [sflag:s19], $0x3200  }
0xd5: {  	[sflag:s19] =	ssyncset.done $0x0  }
0xd6: {  	[sflag:s19] =	ssyncadd.s32 $0xFFFFCE00  }
0xd7: {  	[spmem:s2] =	stream.indirect.scatter.add.f32 [tilespmem:s18], [sflag:$0x2], $0x20, s20, s20, $0xb8;
	[tilespmem:$0x1EDC0] =	vst v63  }
0xd8: {  	_ =	swait.ge [sflag:s19], $0x3200  }
0xd9: {  	[sflag:s19] =	ssyncset.done $0x0  }
0xda: {  	[sflag:s19] =	ssyncadd.s32 $0xFFFFCE00  }
0xdb: {  	[spmem:s2] =	stream.indirect.scatter.add.f32 [tilespmem:s22], [sflag:$0x2], $0x20, s20, s20, $0xb8;
	[tilespmem:$0x1EDC0] =	vst v63  }
0xdc: {  	_ =	swait.ge [sflag:s19], $0x3200  }
0xdd: {  	s30 =	sshll.u32 s0, $0x6;
	s23 =	sadd.s32 $0x1, s23;
	[sflag:s19] =	ssyncset.done $0x0  }
0xde: {  	s31 =	sshrl.u32 s5, $0x3;
	p0 =	sne.s32 s23, s14;
	[sflag:s19] =	ssyncadd.s32 $0xFFFFCE00  }
.Ltmp2:
0xdf: {  	s24 =	sor.u32 $0x1C02, s30;
	[bflag:$0x0] =	sbarrier.arrive $0xFFFF;
	(pc) =	sbr.rel @p0 .LBB2_1-.Ltmp2, $4  }
0xe0: {  	[hbm:s13], [sflag:s24] =	dma.local [spmem:s31], $0x30D4  }
0xe1: {  	_ =	swait.ge [sflag:s19], $0x30D4  }
0xe2: {  	[sflag:s19] =	ssyncset.done $0x0  }
0xe3: {  	[sflag:s19] =	ssyncadd.s32 $0xFFFFCF2C  }
0xe4: {  	_ =	sfence.sel $0x180000  }
0xe5: {  	[bflag:$0x0] =	sbarrier.arrive $0xFFFF  }
0xe6: {  	p0 =	sne.s32 s0, $0x0;
	_ =	strace $0x90000047  }
0xe7: {  	s0 =	sadd.s32 @!p0 $0x100000, s1;
	[bflag:$0x2] =	sbarrier.arrive $0xFFFF  }
0xe8: {  	[sflag:s0] =	ssyncadd.tile.s32 @!p0 $0x1;
	_ =	shalt  }
.Lfunc_end2:
_tile_overlayer_lowered:
.L_overlay_start_2:
0xe9: {  	(tag) =	ssettag $0x2  }
0xea: {  	s0 =	rddreg [dreg:$0x0];
	s2 =	stileid.u32  }
0xeb: {  	s1 =	rddreg [dreg:$0x1];
	p0 =	sne.s32 s2, $0x0  }
0xec: {  	s3 =	rddreg [dreg:$0x2];
	[bflag:$0x3] =	sbarrier.arrive $0xFFFF;
	s2 =	simm.s32 @!p0 $0x1C02  }
0xed: {  	[timem:s3], [sflag:s2] =	dma.local @!p0 [hbm:s0], s1  }
0xee: {  	s0 =	simm.s32 @!p0 $0x2  }
0xef: {  	_ =	swait.ge @!p0 [sflag:s0], s1  }
0xf0: {  	s1 =	ssub.s32 @!p0 $0x0, s1;
	[sflag:s0] =	ssyncset.done @!p0 $0x0  }
0xf1: {  	[sflag:s0] =	ssyncadd.s32 @!p0 s1  }
0xf2: {  	[bflag:$0x3] =	sbarrier.arrive $0xFFFF  }
0xf3: {  	_ =	shalt  }

// kernel: scatter_offload_async_start
scs
__scs_entry_jumppad:
0x0: {  	(pc) =	sbr.rel $0x88, $3  }
0x1: {  	(tag) =	ssettag $0x0;
	lr =	simm.s32 $0x1  }
0x2: {  	[smem:$0x3F8E] =	sst lr;
	_ =	strace $0xD0000000  }
0x3: {  	_ = 	snop  }
0x4: {  	_ = 	snop  }
0x5: {  	_ = 	snop  }
0x6: {  	_ = 	snop  }
0x7: {  	_ = 	snop  }
__scs_overlays_trampoline_lowered:
0x8: {  	[smem:$0x3F9D] =	sst s0  }
0x9: {  	[smem:$0x3F9E] =	sst s1  }
0xa: {  	[smem:$0x3F9F] =	sst s2  }
0xb: {  	[smem:$0x3FA0] =	sst s3  }
0xc: {  	[smem:$0x3FA1] =	sst s4  }
0xd: {  	[smem:$0x3FA2] =	sst s5  }
0xe: {  	[smem:$0x3FA3] =	sst s6  }
0xf: {  	[smem:$0x3FA4] =	sst s7  }
0x10: {  	[smem:$0x3FA5] =	sst s8  }
0x11: {  	[smem:$0x3FA6] =	sst s9;
	s0 =	simm.s32 @!p0 $0x0  }
0x12: {  	s1 =	sld [smem:$0x3F8C];
	s0 =	simm.s32 @p0 $0x1  }
0x13: {  	[smem:$0x3FA7] =	sst s0;
	s0 =	simm.s32 @!p1 $0x0  }
0x14: {  	s2 =	sld [smem:$0x3F8B];
	s0 =	simm.s32 @p1 $0x1  }
0x15: {  	[smem:$0x3FA8] =	sst s0;
	s0 =	simm.s32 @!p2 $0x0  }
0x16: {  	s3 =	sld [smem:$0x3FDB];
	s0 =	simm.s32 @p2 $0x1  }
0x17: {  	s4 =	simm.s32 $0x1BF5;
	[smem:$0x3FAA] =	sst s0  }
0x18: {  	s0 =	sld [smem:$0x3F8D];
	_ =	swait.ge [sflag:s4], $0x0  }
0x19: {  	s7 =	sld [smem:$0x3F8E]  }
0x1a: {  	s8 =	sadd.s32 $0xFFFFE003, lr  }
0x1b: {  	s9 =	sadd.s32 $0xFFFFFEF7, lr;
	s5 =	simm.s32 $0xFFFFFFFF;
	p2 =	slt.u32 s8, $0xFFFFF086  }
0x1c: {  	p1 =	slt.u32 s9, $0xF7A;
	s5 =	simm.s32 @!p2 $0x0  }
0x1d: {  	s5 =	simm.s32 @p1 $0x1;
	p0 =	seq.s32 s7, s2  }
0x1e: {  	s7 =	smul.u32 @!p0 $0xF7A, s2;
	p2 =	seq.s32 @!p0 s5, $0x0  }
0x1f: {  	s9 =	smul.u32 $0xF7A, s1;
	s8 =	simm.s32 @!p0 $0x1BF5;
	p2 =	por !p2, p0  }
0x20: {  	[sflag:s8] =	ssyncset.s32 @!p0 $0xFFFFF086;
	s6 =	sadd.s32 @!p0 s3, s7;
	s7 =	simm.s32 @!p0 $0x108  }
0x21: {  	s3 =	sadd.s32 s3, s9;
	s6 =	sadd.s32 @!p0 $0x88, s6;
	s7 =	simm.s32 @p2 $0x1082  }
0x22: {  	[simem:s7], [sflag:s8] =	dma.local @!p0 [hbm:s6], $0xF7A  }
0x23: {  	s9 =	sor.u32 $0xD0000000, s2;
	s6 =	simm.s32 $0x108;
	_ =	swait.ge @!p0 [sflag:s8], $0x0  }
0x24: {  	s3 =	sadd.s32 $0x88, s3;
	s6 =	simm.s32 @!p1 $0x1082;
	[sflag:s4] =	ssyncset.s32 $0xFFFFF086  }
0x25: {  	[simem:s6], [sflag:s4] =	dma.local [hbm:s3], $0xF7A  }
0x26: {  	[smem:$0x3F8E] =	sst s1;
	(tag) =	ssettag s2;
	_ =	strace s9  }
0x27: {  	s1 =	sld [smem:$0x3F9E]  }
0x28: {  	s2 =	sld [smem:$0x3F9F]  }
0x29: {  	s4 =	sld [smem:$0x3FA1]  }
0x2a: {  	p0 =	seq.s32 s5, $0x0;
	s5 =	sld [smem:$0x3FA2]  }
0x2b: {  	s6 =	sld [smem:$0x3FA3]  }
0x2c: {  	s7 =	sld [smem:$0x3FA4]  }
0x2d: {  	s3 =	simm.s32 $0x108;
	s8 =	sld [smem:$0x3FA5]  }
0x2e: {  	s3 =	simm.s32 @!p0 $0x1082;
	s9 =	sld [smem:$0x3FA6]  }
0x2f: {  	lr =	sadd.s32 s0, s3;
	s0 =	sld [smem:$0x3F9D]  }
0x30: {  	s3 =	sld [smem:$0x3FA0]  }
0x31: {  	[smem:$0x3FA9] =	sst s10  }
0x32: {  	s10 =	sld [smem:$0x3FA7];
	_ =	sdelay $0x3  }
0x33: {  	p0 =	seq.s32 s10, $0x1;
	s10 =	sld [smem:$0x3FA9];
	_ =	sdelay $0x3  }
0x34: {  	[smem:$0x3FA9] =	sst s10  }
0x35: {  	s10 =	sld [smem:$0x3FA8];
	_ =	sdelay $0x3  }
0x36: {  	p1 =	seq.s32 s10, $0x1;
	s10 =	sld [smem:$0x3FA9];
	_ =	sdelay $0x3  }
0x37: {  	[smem:$0x3FA9] =	sst s10  }
0x38: {  	s10 =	sld [smem:$0x3FAA]  }
0x39: {  	_ = 	snop;
	(pc) =	sbr.ind lr, $3  }
0x3a: {  	_ = 	snop  }
0x3b: {  	_ = 	snop  }
0x3c: {  	p2 =	seq.s32 s10, $0x1;
	s10 =	sld [smem:$0x3FA9]  }
0x3d: {  	_ =	shalt  }
0x3e: {  	_ =	shalt  }
0x3f: {  	_ =	shalt  }
0x40: {  	_ =	shalt  }
0x41: {  	_ =	shalt  }
0x42: {  	_ =	shalt  }
0x43: {  	_ =	shalt  }
0x44: {  	_ =	shalt  }
0x45: {  	_ =	shalt  }
0x46: {  	_ =	shalt  }
0x47: {  	_ =	shalt  }
0x48: {  	_ =	shalt  }
0x49: {  	_ =	shalt  }
0x4a: {  	_ =	shalt  }
0x4b: {  	_ =	shalt  }
0x4c: {  	_ =	shalt  }
0x4d: {  	_ =	shalt  }
0x4e: {  	_ =	shalt  }
0x4f: {  	_ =	shalt  }
0x50: {  	_ =	shalt  }
0x51: {  	_ =	shalt  }
0x52: {  	_ =	shalt  }
0x53: {  	_ =	shalt  }
0x54: {  	_ =	shalt  }
0x55: {  	_ =	shalt  }
0x56: {  	_ =	shalt  }
0x57: {  	_ =	shalt  }
0x58: {  	_ =	shalt  }
0x59: {  	_ =	shalt  }
0x5a: {  	_ =	shalt  }
0x5b: {  	_ =	shalt  }
0x5c: {  	_ =	shalt  }
0x5d: {  	_ =	shalt  }
0x5e: {  	_ =	shalt  }
0x5f: {  	_ =	shalt  }
0x60: {  	_ =	shalt  }
0x61: {  	_ =	shalt  }
0x62: {  	_ =	shalt  }
0x63: {  	_ =	shalt  }
0x64: {  	_ =	shalt  }
0x65: {  	_ =	shalt  }
0x66: {  	_ =	shalt  }
0x67: {  	_ =	shalt  }
0x68: {  	_ =	shalt  }
0x69: {  	_ =	shalt  }
0x6a: {  	_ =	shalt  }
0x6b: {  	_ =	shalt  }
0x6c: {  	_ =	shalt  }
0x6d: {  	_ =	shalt  }
0x6e: {  	_ =	shalt  }
0x6f: {  	_ =	shalt  }
0x70: {  	_ =	shalt  }
0x71: {  	_ =	shalt  }
0x72: {  	_ =	shalt  }
0x73: {  	_ =	shalt  }
0x74: {  	_ =	shalt  }
0x75: {  	_ =	shalt  }
0x76: {  	_ =	shalt  }
0x77: {  	_ =	shalt  }
0x78: {  	_ =	shalt  }
0x79: {  	_ =	shalt  }
0x7a: {  	_ =	shalt  }
0x7b: {  	_ =	shalt  }
0x7c: {  	_ =	shalt  }
0x7d: {  	_ =	shalt  }
0x7e: {  	_ =	shalt  }
0x7f: {  	_ =	shalt  }
0x80: {  	_ =	shalt  }
0x81: {  	_ =	shalt  }
0x82: {  	_ =	shalt  }
0x83: {  	_ =	shalt  }
0x84: {  	_ =	shalt  }
0x85: {  	_ =	shalt  }
0x86: {  	_ =	shalt  }
0x87: {  	_ =	shalt  }
.Lfunc_end0:
.L_simem_size_0:
called_computation_lowered:
.L_overlay_start_0:
0x88: {  	s2 =	sld [smem:$0x3FD9]  }
0x89: {  	s3 =	sld [smem:$0x3FFE];
	_ =	sdelay $0x1  }
0x8a: {  	s1 =	srdreg.scid  }
0x8b: {  	s0 =	sand.u32 $0x1, s1  }
0x8c: {  	s15 =	sshll.u32 s0, $0xA;
	s2 =	sadd.s32 s3, s2  }
0x8d: {  	s2 =	sadd.s32 s2, s15  }
0x8e: {  	[smem:$0x3FB5] =	sst s2  }
0x8f: {  	_ = 	snop  }
0x90: {  	(tm) =	ssettm $0x1  }
0x91: {  	s16 =	sld [smem:$0x3FFB];
	_ =	sdelay $0x3  }
0x92: {  	_ =	strace s16  }
0x93: {  	s2 =	sld [smem:$0x3FFC];
	_ =	sdelay $0x3  }
0x94: {  	_ =	strace s2  }
0x95: {  	s2 =	sld [smem:$0x3FFD];
	_ =	sdelay $0x3  }
0x96: {  	_ =	strace s2  }
0x97: {  	_ =	strace $0x8FFFFFFF  }
0x98: {  	s17 =	sld [smem:$0x3FDB];
	_ =	sdelay $0x1  }
0x99: {  	s18 =	simm.s32 $_scs_section_size  }
0x9a: {  	s4 =	simm.s32 $_size__tile_overlayer_lowered;
	s5 =	simm.s32 $_tile_overlayer_lowered  }
0x9b: {  	s21 =	simm.s32 $0x1BFF;
	s20 =	sshll.u32 s5, $0x1;
	s2 =	sadd.s32 s18, s17  }
0x9c: {  	s6 =	simm.s32 $0x0;
	s19 =	sshll.u32 s4, $0x1;
	s4 =	sadd.s32 s20, s2  }
0x9d: {  	[timem:s6], [sflag:s21] =	dma.local [hbm:s4], s19  }
0x9e: {  	_ =	swait.ge [sflag:s21], s19  }
0x9f: {  	s3 =	ssub.s32 $0x0, s19;
	[sflag:s21] =	ssyncset.done $0x0  }
0xa0: {  	[sflag:s21] =	ssyncadd.s32 s3;
	_ =	sdelay $0x1  }
0xa1: {  	s22 =	simm.s32 $0x1B8B  }
0xa2: {  	_ =	swait.ge [sflag:s22], $0x1  }
0xa3: {  	[sflag:s22] =	ssyncset.done $0x0  }
0xa4: {  	s23 =	sld [smem:$0x3FFE];
	[sflag:s22] =	ssyncadd.s32 $0xFFFFFFFF  }
0xa5: {  	s25 =	simm.s32 $0x1B8E;
	s24 =	sld [smem:$0x0]  }
0xa6: {  	s26 =	simm.s32 $execute0_lowered;
	[smem:$0x3FD2] =	sst s25  }
0xa7: {  	s5 =	sshll.u32 s26, $0x1;
	_ =	strace $0x80000049;
	[dreg:$0x1] =	wrdreg $0xFFFFFFFF  }
0xa8: {  	s28 =	simm.s32 $_size_execute0_lowered;
	s2 =	sadd.s32 s2, s5;
	[dreg:$0x0] =	wrdreg $0x0  }
0xa9: {  	s5 =	sshll.u32 s28, $0x1;
	[dreg:$0x2] =	wrdreg s2  }
0xaa: {  	[dreg:$0x3] =	wrdreg s5  }
0xab: {  	[dreg:$0x4] =	wrdreg $0xC0  }
0xac: {  	_ =	task [dreg:s6], $0x5FFFF  }
0xad: {  	[dreg:$0x1] =	wrdreg $0xFFFFFFFF  }
0xae: {  	[dreg:$0x0] =	wrdreg $0x60  }
0xaf: {  	[dreg:$0x2] =	wrdreg s23  }
0xb0: {  	[dreg:$0x3] =	wrdreg s1  }
0xb1: {  	[dreg:$0x4] =	wrdreg s24  }
0xb2: {  	[dreg:$0x5] =	wrdreg $0x9  }
0xb3: {  	_ =	task.clear_ibuf [dreg:s6], $0x6FFFF;
	_ =	strace $0x90000049  }
0xb4: {  	s29 =	simm.s32 $0x9;
	_ =	strace $0x8000004B  }
0xb5: {  	_ =	swait.ge [sflag:s29], $0x1  }
0xb6: {  	[sflag:s29] =	ssyncadd.s32 $0xFFFFFFFF  }
0xb7: {  	_ =	strace $0x9000004B  }
0xb8: {  	_ =	sfence  }
0xb9: {  	s30 =	sld [smem:$0x0];
	_ =	sdelay $0x2  }
0xba: {  	s31 =	sshll.u32 s1, $0xD;
	s1 =	sshrl.u32 s1, $0x2  }
0xbb: {  	s3 =	sand.u32 $0x4000, s31;
	s1 =	sadd.s32 s1, s30  }
0xbc: {  	s0 =	sor.u32 s3, s0;
	s1 =	sshll.u32 s1, $0x11  }
0xbd: {  	s0 =	sor.u32 s1, s0  }
0xbe: {  	s0 =	sadd.s32 $0x8F2B, s0  }
0xbf: {  	[sflag:s0] =	ssyncadd.remote.s32 $0x1  }
0xc0: {  	_ =	sfence.sel $0xFFFF  }
0xc1: {  	[dreg:$0x0] =	wrdreg $0xFFFFFFFF;
	(pc) =	sbr.abs _section_cstart, $3  }
0xc2: {  	[dreg:$0x1] =	wrdreg $0xFFFFFFFF  }
0xc3: {  	_ =	task.clear_ibuf [dreg:s6], $0x2FFFF;
	_ =	strace $0x9FFFFFFF  }
0xc4: {  	(tm) =	ssettm $0x7FFFFFFF  }
0xc5: {  	_ =	shalt  }
tec
execute0_lowered:
.L_overlay_start_1:
0x0: {  	(tag) =	ssettag $0x1  }
0x1: {  	s2 =	rddreg [dreg:$0x0]  }
0x2: {  	s4 =	rddreg [dreg:$0x1];
	_ =	strace $0x8000004A;
	s0 =	simm.s32 $0x1  }
0x3: {  	s3 =	simm.s32 $0x88;
	v0 =	vimm.s32 $0x0;
	[sflag:s0] =	ssyncpa.u1 $0x0  }
0x4: {  	s1 =	sadd.s32 $0x7A6A00, s2;
	[tilespmem:s3+$0x30] =	vst v0  }
0x5: {  	s0 =	sadd.s32 $0x1AA00, s2;
	s6 =	sadd.s32 $0x9F0A00, s2;
	[tilespmem:s3+$0x20] =	vst v0  }
0x6: {  	s2 =	sadd.s32 $0x78E200, s2;
	s7 =	sand.u32 $0x1, s4;
	s4 =	simm.s32 $0x40;
	[tilespmem:s3+$0x10] =	vst v0  }
.LBB2_1:
0x7: {  	s4 =	sadd.s32 $0x40, s4  }
0x8: {  	[tilespmem:s3+$0x0] =	vst v0;
	s3 =	sadd.s32 $0x40, s3;
	p0 =	slt.u32 s4, $0x5040  }
.Ltmp0:
0x9: {  	(pc) =	sbr.rel @p0 .LBB2_1-.Ltmp0, $4  }
0xa: {  	_ = 	snop  }
0xb: {  	[tilespmem:s3+$0x30] =	vst v0  }
0xc: {  	[tilespmem:s3+$0x20] =	vst v0  }
0xd: {  	[tilespmem:s3+$0x10] =	vst v0  }
0xe: {  	s8 =	stileid.u32  }
0xf: {  	s4 =	smul.u32 $0x4E, s8  }
0x10: {  	s5 =	smin.u32 s8, $0x2  }
0x11: {  	s4 =	sadd.s32 s5, s4  }
0x12: {  	p0 =	slt.u32 s8, $0x2;
	s12 =	smul.u32 $0x140, s4;
	s4 =	simm.s32 $0x62C0  }
0x13: {  	s4 =	simm.s32 @!p0 $0x6180  }
0x14: {  	s25 =	simm.s32 $0x2;
	s4 =	sadd.s32 s4, s12  }
0x15: {  	s28 =	simm.s32 $0x9;
	s9 =	simm.s32 $0xA;
	s14 =	smin.u32 s4, $0x61A80  }
0x16: {  	s30 =	simm.s32 $0xB;
	[dreg:$0x4] =	wrdreg s7;
	s4 =	ssub.s32 s14, s12  }
0x17: {  	s31 =	smul.u32 $0xC350, s7;
	s13 =	simm.s32 $0x1;
	p0 =	sgt.s32 s4, $0x0  }
0x18: {  	s19 =	simm.s32 $0x0;
	s20 =	simm.s32 $0xA808;
	s4 =	simm.s32 @!p0 $0x0  }
0x19: {  	s21 =	simm.s32 $0xFFFFFFFF;
	p1 =	por $0x0, $0x0;
	s26 =	smulhi.u32 $0x66666667, s4  }
0x1a: {  	[tilespmem:s3+$0x0] =	vst v0;
	s23 =	simm.s32 $0x0;
	[sflag:s25] =	ssyncpa.u1 $0x0;
	s18 =	sshll.u32 s8, $0x7  }
0x1b: {  	s0 =	sadd.s32 s31, s0;
	[dreg:$0xa] =	wrdreg s18;
	s3 =	sshrl.u32 s26, $0x7  }
0x1c: {  	v0 =	vimm.s32 $0xFFFFFFFF;
	s17 =	sadd.s32 s31, s2;
	[dreg:$0x9] =	wrdreg s0;
	s29 =	smul.u32 $0x140, s3  }
0x1d: {  	s25 =	simm.s32 $0x0;
	[tilespmem:$0xA108] =	vst v0;
	[sflag:s28] =	ssyncpa.u1 $0x0;
	[dreg:$0x8] =	wrdreg s17  }
.Ltmp1:
0x1e: {  	p0 =	sne.s32 s4, s29;
	s4 =	simm.s32 $0x1;
	(pc) =	sbr.rel .LBB2_3-.Ltmp1, $4  }
0x1f: {  	[sflag:s9] =	ssyncpa.u1 $0x0;
	[dreg:$0x5] =	wrdreg s12;
	s4 =	simm.s32 @!p0 $0x0  }
0x20: {  	[sflag:s30] =	ssyncpa.u1 $0x0;
	[dreg:$0x6] =	wrdreg s14;
	s15 =	sadd.s32 s4, s3  }
0x21: {  	s24 =	smov.u32 s12;
	s22 =	sadd.s32 $0x1, s15;
	[dreg:$0x7] =	wrdreg s15  }
0x22: {  	v0 =	vlaneseq.u32;
	s26 =	simm.s32 $0x0;
	p0 =	por $0x1, $0x1;
	[dreg:$0xb] =	wrdreg s22  }
.LBB2_22:
0x23: {  	s0 =	sshrl.u32 s2, $0x2  }
.LBB2_24:
0x24: {  	s2 =	simm.s32 $0xC  }
0x25: {  	_ =	swait.ge [sflag:s2], s0  }
0x26: {  	s31 =	ssub.s32 $0x0, s0;
	v1 =	vmov s4;
	vm0 =	veq.s32 v0, $0x0;
	[sflag:s2] =	ssyncset.done $0x0  }
0x27: {  	vm15 =	veq.s32 v0, $0x2;
	v1 =	vsel vm0, s5, v1;
	[sflag:s2] =	ssyncadd.s32 s31  }
0x28: {  	v1 =	vsel vm15, s26, v1;
	[sflag:s2] =	ssyncpa.u1 $0x1  }
0x29: {  	[tilespmem:$0xA108] =	vst v1  }
.LBB2_25:
0x2a: {  	s0 =	sadd.s32 $0x140, s24  }
0x2b: {  	s2 =	smov.u32 s12;
	p2 =	slt.s32 s0, s14  }
0x2c: {  	s2 =	smov.u32 @p2 s0;
	p2 =	sne.s32 s25, s22  }
.Ltmp2:
0x2d: {  	_ = 	snop;
	(pc) =	sbr.rel @!p2 .LBB2_26-.Ltmp2, $4  }
0x2e: {  	_ = 	snop  }
0x2f: {  	s26 =	smov.u32 s23;
	s31 =	sadd.s32 $0x1, s25;
	p0 =	por !p0, !p0  }
0x30: {  	s23 =	smov.u32 s24;
	s20 =	sadd.s32 $0x140, s20;
	s21 =	sadd.s32 $0x1, s21  }
0x31: {  	p1 =	por !p1, !p1;
	s25 =	smov.u32 s31;
	s24 =	smov.u32 s2  }
.LBB2_3:
0x32: {  	p2 =	sge.u32 s25, s15  }
0x33: {  	s0 =	smulhi.u32 @!p2 $0xAAAAAAAB, s25  }
0x34: {  	s2 =	smov.u32 s24;
	p3 =	sgt.s32 @!p2 s24, $0x61940  }
0x35: {  	s3 =	sshra.s32 @!p2 s24, $0x1F;
	p3 =	por !p3, p2;
	s0 =	sshrl.u32 @!p2 s0, $0x1  }
0x36: {  	s3 =	sand.u32 @!p2 s3, s24;
	s2 =	simm.s32 @p3 $0x61940;
	s0 =	smul.u32 @!p2 $0x3, s0  }
0x37: {  	s2 =	ssub.s32 @!p2 s2, s3  }
0x38: {  	s2 =	sadd.s32 @!p2 $0xFFF9E6C0, s2;
	s0 =	ssub.s32 @!p2 s25, s0  }
0x39: {  	s3 =	sshll.u32 @!p2 s2, $0x2;
	p3 =	sgt.s32 @!p2 s2, $0x13F;
	s0 =	smul.u32 @!p2 $0x500, s0  }
0x3a: {  	s4 =	sand.u32 @!p2 $0x7, s24;
	s2 =	ssub.s32 @!p2 $0x500, s3;
	p3 =	por !p3, p2  }
0x3b: {  	s3 =	sshrl.u32 @!p2 s24, $0x3;
	s2 =	sshrl.u32 @!p2 s2, $0x2;
	s0 =	sshrl.u32 @!p2 s0, $0x2  }
0x3c: {  	s3 =	sadd.s32 @!p2 s3, s17;
	s2 =	simm.s32 @!p3 $0x0;
	s0 =	sadd.s32 @!p2 $0xA948, s0  }
0x3d: {  	[tilespmem:s0], [sflag:$0xA] =	stream.linear.gather @!p2 [hbm4b:s3+s4], s2, $0x38;
	[tilespmem:$0x1EF88] =	vst v63  }
0x3e: {  	s0 =	sadd.s32 $0xFFFFFFFF, s25  }
0x3f: {  	p2 =	sge.u32 s0, s15  }
.Ltmp3:
0x40: {  	_ = 	snop;
	(pc) =	sbr.rel @p2 .LBB2_7-.Ltmp3, $1  }
0x41: {  	_ =	sdelay $0x3  }
0x42: {  	p2 =	sgt.s32 s23, $0x61940;
	s2 =	smov.u32 s23;
	s3 =	sshra.s32 s23, $0x1F  }
0x43: {  	s2 =	simm.s32 @!p2 $0x61940;
	s3 =	sand.u32 s3, s23  }
0x44: {  	s2 =	ssub.s32 s2, s3  }
0x45: {  	s17 =	smulhi.u32 $0xAAAAAAAB, s21;
	s0 =	sand.u32 $0x1, s0;
	s2 =	sadd.s32 $0xFFF9E6C0, s2  }
0x46: {  	s5 =	simm.s32 $0xA;
	s22 =	sshrl.u32 s23, $0x3;
	s4 =	sshll.u32 s2, $0x2  }
0x47: {  	s0 =	smul.u32 $0x500, s0;
	s3 =	sshrl.u32 s17, $0x1;
	s4 =	ssub.s32 $0x500, s4  }
0x48: {  	s3 =	smul.u32 $0xFFFFF100, s3;
	p2 =	sgt.s32 s2, $0x13F;
	s2 =	sshrl.u32 s4, $0x2  }
0x49: {  	s7 =	sand.u32 $0x7, s23;
	s0 =	sshrl.u32 s0, $0x2;
	s2 =	simm.s32 @p2 $0x0  }
0x4a: {  	s0 =	sadd.s32 $0xAD08, s0;
	s3 =	sshra.s32 s3, $0x2;
	_ =	swait.ge [sflag:s5], s2  }
0x4b: {  	s18 =	ssub.s32 $0x0, s2;
	[sflag:s5] =	ssyncset.done $0x0;
	s31 =	rddreg [dreg:$0x9]  }
0x4c: {  	s4 =	sadd.s32 s3, s20;
	[sflag:s5] =	ssyncadd.s32 s18;
	s3 =	sadd.s32 s22, s31  }
0x4d: {  	[tilespmem:s0], [sflag:$0xB] =	stream.linear.gather [hbm4b:s3+s7], s2, $0x38;
	[tilespmem:$0x1EF88] =	vst v63  }
0x4e: {  	v1 =	vld.msk [tilespmem:s4+$0x0], $0xffff;
	_ =	sdelay $0x4  }
0x4f: {  	v1 =	vshll.u32 v1, $0x4  }
0x50: {  	(v2sf) =	vpush v1, $0x0;
	_ =	sdelay $0x1  }
0x51: {  	(v2sf) =	vpush v1, $0x1  }
0x52: {  	(v2sf) =	vpush v1, $0x2;
	_ =	sdelay $0x1  }
0x53: {  	(v2sf) =	vpush v1, $0x3  }
0x54: {  	(v2sf) =	vpush v1, $0x4;
	_ =	sdelay $0x1  }
0x55: {  	(v2sf) =	vpush v1, $0x5  }
0x56: {  	s0 =	simm.s32 $0x1  }
0x57: {  	s0 =	simm.s32 @!p0 $0x0  }
0x58: {  	s0 =	smul.u32 $0x28000, s0  }
0x59: {  	(v2sf) =	vpush v1, $0x6  }
0x5a: {  	s0 =	sshrl.u32 s0, $0x2  }
0x5b: {  	s28 =	sadd.s32 $0xB708, s0  }
0x5c: {  	s10 =	sadd.s32 $0xFFFFF880, s28;
	s15 =	sadd.s32 $0xFFFFF900, s28;
	s8 =	spop (v2sf)  }
0x5d: {  	s16 =	sadd.s32 $0xFFFFF980, s28;
	s31 =	sadd.s32 $0xFFFFFA00, s28;
	(v2sf) =	vpush v1, $0x7;
	s9 =	sand.u32 $0x1FFFFFF0, s8  }
0x5e: {  	s3 =	sadd.s32 $0xFFFFFA80, s28;
	s11 =	spop (v2sf);
	s0 =	sadd.s32 s6, s9  }
0x5f: {  	(v2sf) =	vpush v1, $0x8;
	s12 =	sand.u32 $0x1FFFFFF0, s11;
	s14 =	spop (v2sf);
	s9 =	sadd.s32 $0xFFFFFB00, s28  }
0x60: {  	(v2sf) =	vpush v1, $0x9;
	[tilespmem:s10], [sflag:$0x9] =	stream.linear.gather [hbm4b:s0+s19], $0x40, $0x38;
	[tilespmem:$0x1EF88] =	vst v63  }
0x61: {  	s0 =	sadd.s32 s6, s12;
	s2 =	sand.u32 $0x1FFFFFF0, s14;
	s17 =	spop (v2sf)  }
0x62: {  	(v2sf) =	vpush v1, $0xA;
	s10 =	sadd.s32 $0xFFFFFB80, s28;
	s18 =	sand.u32 $0x1FFFFFF0, s17;
	s22 =	spop (v2sf)  }
0x63: {  	[tilespmem:s15], [sflag:$0x9] =	stream.linear.gather [hbm4b:s0+s19], $0x40, $0x38;
	[tilespmem:$0x1EF88] =	vst v63  }
0x64: {  	s2 =	sadd.s32 s6, s2;
	(v2sf) =	vpush v1, $0xB;
	s0 =	sadd.s32 s6, s18;
	s5 =	spop (v2sf)  }
0x65: {  	[tilespmem:s16], [sflag:$0x9] =	stream.linear.gather [hbm4b:s2+s19], $0x40, $0x38;
	[tilespmem:$0x1EF88] =	vst v63  }
0x66: {  	(v2sf) =	vpush v1, $0xC;
	s15 =	sadd.s32 $0xFFFFFC00, s28;
	s7 =	sand.u32 $0x1FFFFFF0, s5;
	s2 =	sand.u32 $0x1FFFFFF0, s22  }
0x67: {  	[tilespmem:s31], [sflag:$0x9] =	stream.linear.gather [hbm4b:s0+s19], $0x40, $0x38;
	[tilespmem:$0x1EF88] =	vst v63  }
0x68: {  	s8 =	spop (v2sf);
	(v2sf) =	vpush v1, $0xD;
	s5 =	sadd.s32 $0xFFFFFD80, s28;
	s2 =	sadd.s32 s6, s2  }
0x69: {  	[tilespmem:s3], [sflag:$0x9] =	stream.linear.gather [hbm4b:s2+s19], $0x40, $0x38;
	[tilespmem:$0x1EF88] =	vst v63  }
0x6a: {  	s16 =	sadd.s32 $0xFFFFFC80, s28;
	s0 =	sadd.s32 s6, s7;
	s2 =	sand.u32 $0x1FFFFFF0, s8  }
0x6b: {  	[tilespmem:s9], [sflag:$0x9] =	stream.linear.gather [hbm4b:s0+s19], $0x40, $0x38;
	[tilespmem:$0x1EF88] =	vst v63  }
0x6c: {  	s31 =	sadd.s32 $0xFFFFFD00, s28;
	s2 =	sadd.s32 s6, s2;
	s11 =	spop (v2sf);
	(v2sf) =	vpush v1, $0xE  }
0x6d: {  	[tilespmem:s10], [sflag:$0x9] =	stream.linear.gather [hbm4b:s2+s19], $0x40, $0x38;
	[tilespmem:$0x1EF88] =	vst v63  }
0x6e: {  	s10 =	sadd.s32 $0xFFFFFE00, s28;
	s12 =	sand.u32 $0x1FFFFFF0, s11;
	s14 =	spop (v2sf);
	(v2sf) =	vpush v1, $0xF  }
0x6f: {  	s0 =	sadd.s32 s6, s12;
	s2 =	sand.u32 $0x1FFFFFF0, s14;
	s17 =	spop (v2sf)  }
0x70: {  	[tilespmem:s15], [sflag:$0x9] =	stream.linear.gather [hbm4b:s0+s19], $0x40, $0x38;
	[tilespmem:$0x1EF88] =	vst v63  }
0x71: {  	s2 =	sadd.s32 s6, s2;
	s18 =	sand.u32 $0x1FFFFFF0, s17;
	s22 =	spop (v2sf)  }
0x72: {  	[tilespmem:s16], [sflag:$0x9] =	stream.linear.gather [hbm4b:s2+s19], $0x40, $0x38;
	[tilespmem:$0x1EF88] =	vst v63  }
0x73: {  	s0 =	sadd.s32 s6, s18;
	s7 =	spop (v2sf);
	s2 =	sand.u32 $0x1FFFFFF0, s22  }
0x74: {  	[tilespmem:s31], [sflag:$0x9] =	stream.linear.gather [hbm4b:s0+s19], $0x40, $0x38;
	[tilespmem:$0x1EF88] =	vst v63  }
0x75: {  	s8 =	sand.u32 $0x1FFFFFF0, s7;
	s9 =	spop (v2sf);
	s2 =	sadd.s32 s6, s2  }
0x76: {  	[tilespmem:s5], [sflag:$0x9] =	stream.linear.gather [hbm4b:s2+s19], $0x40, $0x38;
	[tilespmem:$0x1EF88] =	vst v63  }
0x77: {  	s12 =	spop (v2sf);
	s0 =	sadd.s32 s6, s8;
	s2 =	sand.u32 $0x1FFFFFF0, s9  }
0x78: {  	[tilespmem:s10], [sflag:$0x9] =	stream.linear.gather [hbm4b:s0+s19], $0x40, $0x38;
	[tilespmem:$0x1EF88] =	vst v63  }
0x79: {  	s11 =	sadd.s32 $0xFFFFFE80, s28;
	s14 =	sand.u32 $0x1FFFFFF0, s12;
	s2 =	sadd.s32 s6, s2  }
0x7a: {  	[tilespmem:s11], [sflag:$0x9] =	stream.linear.gather [hbm4b:s2+s19], $0x40, $0x38;
	[tilespmem:$0x1EF88] =	vst v63  }
0x7b: {  	s16 =	sadd.s32 $0xFFFFFF00, s28;
	s0 =	sadd.s32 s6, s14;
	s15 =	spop (v2sf)  }
0x7c: {  	[tilespmem:s16], [sflag:$0x9] =	stream.linear.gather [hbm4b:s0+s19], $0x40, $0x38;
	[tilespmem:$0x1EF88] =	vst v63  }
0x7d: {  	s30 =	sadd.s32 $0x10, s4;
	s2 =	sand.u32 $0x1FFFFFF0, s15;
	s17 =	spop (v2sf)  }
0x7e: {  	s22 =	sadd.s32 $0xFFFFFF80, s28;
	s18 =	sadd.s32 s6, s2;
	s31 =	sand.u32 $0x1FFFFFF0, s17  }
0x7f: {  	[tilespmem:s22], [sflag:$0x9] =	stream.linear.gather [hbm4b:s18+s19], $0x40, $0x38;
	[tilespmem:$0x1EF88] =	vst v63  }
0x80: {  	s29 =	sadd.s32 $0x800, s28;
	s0 =	simm.s32 $0x0;
	s2 =	sadd.s32 s6, s31  }
.LBB2_5:
0x81: {  	[tilespmem:s28], [sflag:$0x9] =	stream.linear.gather [hbm4b:s2+s19], $0x40, $0x38;
	[tilespmem:$0x1EF88] =	vst v63  }
0x82: {  	s0 =	sadd.s32 $0x10, s0;
	s28 =	smov.u32 s29  }
0x83: {  	p2 =	slt.u32 s0, $0x130;
	v1 =	vld.msk [tilespmem:s30+$0x0], $0xffff;
	_ =	sdelay $0x4  }
0x84: {  	v1 =	vshll.u32 v1, $0x4  }
0x85: {  	(v2sf) =	vpush v1, $0x0  }
0x86: {  	(v2sf) =	vpush v1, $0x1  }
0x87: {  	(v2sf) =	vpush v1, $0x2;
	_ =	sdelay $0x1  }
0x88: {  	(v2sf) =	vpush v1, $0x3;
	_ =	sdelay $0x1  }
0x89: {  	(v2sf) =	vpush v1, $0x4;
	_ =	sdelay $0x1  }
0x8a: {  	(v2sf) =	vpush v1, $0x5;
	_ =	sdelay $0x1  }
0x8b: {  	(v2sf) =	vpush v1, $0x6  }
0x8c: {  	s31 =	sadd.s32 $0xFFFFFE80, s29;
	s4 =	sadd.s32 $0xFFFFFF00, s29  }
0x8d: {  	s3 =	sadd.s32 $0xFFFFFD00, s29;
	s2 =	sadd.s32 $0xFFFFFD80, s29;
	s5 =	sadd.s32 $0xFFFFFE00, s29;
	(v2sf) =	vpush v1, $0x7  }
0x8e: {  	s10 =	sadd.s32 $0xFFFFFB80, s29;
	s9 =	sadd.s32 $0xFFFFFC00, s29;
	s16 =	sadd.s32 $0xFFFFFC80, s29  }
0x8f: {  	s11 =	sadd.s32 $0xFFFFFA00, s29;
	s12 =	sadd.s32 $0xFFFFFA80, s29;
	s15 =	sadd.s32 $0xFFFFFB00, s29;
	(v2sf) =	vpush v1, $0x8  }
0x90: {  	s18 =	sadd.s32 $0xFFFFF900, s29;
	s7 =	sadd.s32 $0xFFFFF980, s29;
	s22 =	spop (v2sf)  }
0x91: {  	s8 =	sadd.s32 $0xFFFFF880, s29;
	s22 =	sand.u32 $0x1FFFFFF0, s22;
	s14 =	spop (v2sf);
	(v2sf) =	vpush v1, $0x9  }
0x92: {  	s22 =	sadd.s32 s6, s22;
	s14 =	sand.u32 $0x1FFFFFF0, s14;
	s17 =	spop (v2sf)  }
0x93: {  	[tilespmem:s8], [sflag:$0x9] =	stream.linear.gather [hbm4b:s22+s19], $0x40, $0x38;
	(v2sf) =	vpush v1, $0xA;
	[tilespmem:$0x1EF88] =	vst v63  }
0x94: {  	s8 =	sadd.s32 s6, s14;
	s14 =	sand.u32 $0x1FFFFFF0, s17;
	s17 =	spop (v2sf)  }
0x95: {  	[tilespmem:s18], [sflag:$0x9] =	stream.linear.gather [hbm4b:s8+s19], $0x40, $0x38;
	(v2sf) =	vpush v1, $0xB;
	[tilespmem:$0x1EF88] =	vst v63  }
0x96: {  	s8 =	sadd.s32 s6, s14;
	s14 =	sand.u32 $0x1FFFFFF0, s17;
	s17 =	spop (v2sf)  }
0x97: {  	[tilespmem:s7], [sflag:$0x9] =	stream.linear.gather [hbm4b:s8+s19], $0x40, $0x38;
	(v2sf) =	vpush v1, $0xC;
	[tilespmem:$0x1EF88] =	vst v63  }
0x98: {  	s7 =	sadd.s32 s6, s14;
	s8 =	sand.u32 $0x1FFFFFF0, s17;
	s14 =	spop (v2sf)  }
0x99: {  	[tilespmem:s11], [sflag:$0x9] =	stream.linear.gather [hbm4b:s7+s19], $0x40, $0x38;
	(v2sf) =	vpush v1, $0xD;
	[tilespmem:$0x1EF88] =	vst v63  }
0x9a: {  	s7 =	sadd.s32 s6, s8;
	s8 =	sand.u32 $0x1FFFFFF0, s14;
	s11 =	spop (v2sf)  }
0x9b: {  	[tilespmem:s12], [sflag:$0x9] =	stream.linear.gather [hbm4b:s7+s19], $0x40, $0x38;
	(v2sf) =	vpush v1, $0xE;
	[tilespmem:$0x1EF88] =	vst v63  }
0x9c: {  	s7 =	sadd.s32 s6, s8;
	s8 =	sand.u32 $0x1FFFFFF0, s11;
	s11 =	spop (v2sf)  }
0x9d: {  	[tilespmem:s15], [sflag:$0x9] =	stream.linear.gather [hbm4b:s7+s19], $0x40, $0x38;
	(v2sf) =	vpush v1, $0xF;
	[tilespmem:$0x1EF88] =	vst v63  }
0x9e: {  	s7 =	sadd.s32 s6, s8;
	s8 =	sand.u32 $0x1FFFFFF0, s11;
	s11 =	spop (v2sf)  }
0x9f: {  	[tilespmem:s10], [sflag:$0x9] =	stream.linear.gather [hbm4b:s7+s19], $0x40, $0x38;
	[tilespmem:$0x1EF88] =	vst v63  }
0xa0: {  	s7 =	sadd.s32 s6, s8;
	s8 =	sand.u32 $0x1FFFFFF0, s11;
	s10 =	spop (v2sf)  }
0xa1: {  	[tilespmem:s9], [sflag:$0x9] =	stream.linear.gather [hbm4b:s7+s19], $0x40, $0x38;
	[tilespmem:$0x1EF88] =	vst v63  }
0xa2: {  	s7 =	sadd.s32 s6, s8;
	s8 =	sand.u32 $0x1FFFFFF0, s10;
	s9 =	spop (v2sf)  }
0xa3: {  	[tilespmem:s16], [sflag:$0x9] =	stream.linear.gather [hbm4b:s7+s19], $0x40, $0x38;
	[tilespmem:$0x1EF88] =	vst v63  }
0xa4: {  	s7 =	sadd.s32 s6, s8;
	s8 =	sand.u32 $0x1FFFFFF0, s9;
	s9 =	spop (v2sf)  }
0xa5: {  	[tilespmem:s3], [sflag:$0x9] =	stream.linear.gather [hbm4b:s7+s19], $0x40, $0x38;
	[tilespmem:$0x1EF88] =	vst v63  }
0xa6: {  	s3 =	sadd.s32 s6, s8;
	s7 =	sand.u32 $0x1FFFFFF0, s9;
	s8 =	spop (v2sf)  }
0xa7: {  	[tilespmem:s2], [sflag:$0x9] =	stream.linear.gather [hbm4b:s3+s19], $0x40, $0x38;
	[tilespmem:$0x1EF88] =	vst v63  }
0xa8: {  	s2 =	sadd.s32 s6, s7;
	s3 =	sand.u32 $0x1FFFFFF0, s8;
	s7 =	spop (v2sf)  }
0xa9: {  	[tilespmem:s5], [sflag:$0x9] =	stream.linear.gather [hbm4b:s2+s19], $0x40, $0x38;
	[tilespmem:$0x1EF88] =	vst v63  }
0xaa: {  	s2 =	sadd.s32 s6, s3;
	s3 =	sand.u32 $0x1FFFFFF0, s7;
	s5 =	spop (v2sf)  }
0xab: {  	[tilespmem:s31], [sflag:$0x9] =	stream.linear.gather [hbm4b:s2+s19], $0x40, $0x38;
	[tilespmem:$0x1EF88] =	vst v63  }
0xac: {  	s2 =	sadd.s32 s6, s3  }
.Ltmp4:
0xad: {  	s3 =	sand.u32 $0x1FFFFFF0, s5;
	s5 =	spop (v2sf);
	(pc) =	sbr.rel @p2 .LBB2_5-.Ltmp4, $4  }
0xae: {  	[tilespmem:s4], [sflag:$0x9] =	stream.linear.gather [hbm4b:s2+s19], $0x40, $0x38;
	[tilespmem:$0x1EF88] =	vst v63  }
0xaf: {  	s2 =	sadd.s32 s6, s3;
	s3 =	sadd.s32 $0xFFFFFF80, s29;
	s4 =	sand.u32 $0x1FFFFFF0, s5  }
0xb0: {  	[tilespmem:s3], [sflag:$0x9] =	stream.linear.gather [hbm4b:s2+s19], $0x40, $0x38;
	[tilespmem:$0x1EF88] =	vst v63  }
0xb1: {  	s30 =	sadd.s32 $0x10, s30;
	s29 =	sadd.s32 $0x800, s29;
	s2 =	sadd.s32 s6, s4  }
0xb2: {  	[tilespmem:s28], [sflag:$0x9] =	stream.linear.gather [hbm4b:s2+s19], $0x40, $0x38;
	[tilespmem:$0x1EF88] =	vst v63  }
0xb3: {  	s12 =	rddreg [dreg:$0x5]  }
0xb4: {  	s14 =	rddreg [dreg:$0x6]  }
0xb5: {  	s15 =	rddreg [dreg:$0x7]  }
0xb6: {  	s17 =	rddreg [dreg:$0x8]  }
0xb7: {  	s18 =	rddreg [dreg:$0xa]  }
0xb8: {  	s22 =	rddreg [dreg:$0xb]  }
.LBB2_7:
0xb9: {  	p2 =	slt.u32 s25, $0x2  }
.Ltmp5:
0xba: {  	_ = 	snop;
	(pc) =	sbr.rel @p2 .LBB2_25-.Ltmp5, $1  }
0xbb: {  	_ =	sdelay $0x3  }
0xbc: {  	p2 =	sgt.s32 s26, $0x61940;
	s0 =	smov.u32 s26;
	s2 =	sshra.s32 s26, $0x1F  }
0xbd: {  	s0 =	simm.s32 @!p2 $0x61940;
	s2 =	sand.u32 s2, s26  }
0xbe: {  	s0 =	ssub.s32 s0, s2  }
0xbf: {  	s0 =	sadd.s32 $0xFFF9E6C0, s0  }
0xc0: {  	s3 =	simm.s32 $0x9;
	s29 =	sshll.u32 s0, $0x2  }
0xc1: {  	_ =	swait.ge [sflag:s3], $0x5000;
	s2 =	ssub.s32 $0x500, s29  }
0xc2: {  	[sflag:s3] =	ssyncset.done $0x0;
	p2 =	sgt.s32 s0, $0x13F;
	s0 =	sshrl.u32 s2, $0x2  }
0xc3: {  	s30 =	simm.s32 $0xB;
	[sflag:s3] =	ssyncadd.s32 $0xFFFFB000;
	s0 =	simm.s32 @p2 $0x0  }
0xc4: {  	_ =	swait.ge [sflag:s30], s0  }
0xc5: {  	s0 =	ssub.s32 $0x0, s0;
	[sflag:s30] =	ssyncset.done $0x0  }
0xc6: {  	[sflag:s30] =	ssyncadd.s32 s0  }
0xc7: {  	v1 =	vld [tilespmem:$0xA108];
	_ =	sdelay $0x4  }
0xc8: {  	(v2sf) =	vpush v1, $0x0  }
0xc9: {  	(v2sf) =	vpush v1, $0x1  }
0xca: {  	(v2sf) =	vpush v1, $0x2;
	_ =	sdelay $0x3  }
0xcb: {  	s0 =	sadd.s32 $0x140, s26  }
0xcc: {  	s4 =	ssub.s32 $0xC3500, s26;
	p2 =	slt.s32 s14, s0  }
0xcd: {  	s0 =	smov.u32 @p2 s14;
	p2 =	sgt.s32 s4, $0x0  }
0xce: {  	s0 =	ssub.s32 s0, s26;
	s4 =	simm.s32 @!p2 $0x0  }
0xcf: {  	p2 =	slt.s32 s4, s0  }
0xd0: {  	s0 =	smov.u32 @p2 s4  }
0xd1: {  	s2 =	simm.s32 $0x1;
	p2 =	slt.s32 s0, $0x1  }
.Ltmp6:
0xd2: {  	s2 =	simm.s32 @!p1 $0x0;
	(pc) =	sbr.rel @p2 .LBB2_12-.Ltmp6, $4  }
0xd3: {  	s7 =	smul.u32 $0x500, s2  }
0xd4: {  	s3 =	spop (v2sf)  }
0xd5: {  	s31 =	sshrl.u32 s7, $0x2;
	s5 =	spop (v2sf)  }
0xd6: {  	s28 =	sadd.s32 $0xAD08, s31;
	s26 =	spop (v2sf)  }
0xd7: {  	s4 =	smin.u32 s0, $0x10  }
0xd8: {  	v1 =	vmov s4  }
0xd9: {  	p3 =	sgt.s32 s0, $0x10;
	vm1 =	vgt.u32 v1, v0  }
.Ltmp7:
0xda: {  	_ = 	snop;
	(pc) =	sbr.rel @!p3 .LBB2_11-.Ltmp7, $2  }
0xdb: {  	_ =	sdelay $0x2  }
0xdc: {  	s9 =	simm.s32 $0x10;
	s10 =	sadd.s32 $0xFFFFFFF0, s0;
	s4 =	smov.u32 s28;
	vm0 =	vmmov vm1  }
.LBB2_10:
0xdd: {  	s7 =	smin.u32 s10, $0x10;
	s9 =	sadd.s32 $0x10, s9;
	v1 =	vld.msk [tilespmem:s4+$0x0 ss:$0x1], vm1  }
0xde: {  	v2 =	vmov s7;
	p3 =	slt.s32 s9, s0  }
0xdf: {  	vm1 =	vgt.u32 v2, v0  }
.Ltmp8:
0xe0: {  	(pc) =	sbr.rel @p3 .LBB2_10-.Ltmp8, $3  }
0xe1: {  	_ =	sdelay $0x1  }
0xe2: {  	v1 =	vshll.u32 v1, $0x4  }
0xe3: {  	s10 =	sadd.s32 $0xFFFFFFF0, s10;
	[tilespmem:s4+$0x0] =	vst.msk vm0, v1;
	s4 =	sadd.s32 $0x10, s4;
	vm0 =	vmmov vm1  }
.LBB2_11:
0xe4: {  	_ =	sdelay $0x4  }
0xe5: {  	v1 =	vld.msk [tilespmem:s4+$0x0 ss:$0x1], vm1;
	_ =	sdelay $0x4  }
0xe6: {  	v1 =	vshll.u32 v1, $0x4  }
0xe7: {  	[tilespmem:s4+$0x0] =	vst.msk vm0, v1  }
.LBB2_12:
0xe8: {  	s4 =	sand.u32 $0x1, s25  }
0xe9: {  	s7 =	smul.u32 $0xA000, s4  }
0xea: {  	p3 =	sne.s32 s5, $0xFFFFFFFF;
	s4 =	smul.u32 $0x140, s4  }
0xeb: {  	v1 =	vld @!p3 [tilespmem:s7+$0xAF88]  }
0xec: {  	v2 =	vld.msk @!p3 [tilespmem:s4+$0xAD08], $0x1;
	_ =	sdelay $0x3  }
0xed: {  	[tilespmem:$0x88] =	vst @!p3 v1  }
0xee: {  	(v2sf) =	vpush @!p3 v2, $0x0;
	v1 =	vld @!p3 [tilespmem:s7+$0xAF98];
	_ =	sdelay $0x4  }
0xef: {  	[tilespmem:$0x98] =	vst @!p3 v1  }
0xf0: {  	v1 =	vld @!p3 [tilespmem:s7+$0xAFA8];
	_ =	sdelay $0x4  }
0xf1: {  	[tilespmem:$0xA8] =	vst @!p3 v1  }
0xf2: {  	v1 =	vld @!p3 [tilespmem:s7+$0xAFB8]  }
.Ltmp9:
0xf3: {  	_ = 	snop;
	(pc) =	sbr.rel @p2 .LBB2_23-.Ltmp9, $4  }
0xf4: {  	_ = 	snop  }
0xf5: {  	s29 =	spop @!p3 (v2sf)  }
0xf6: {  	s31 =	simm.s32 $0xC;
	s26 =	simm.s32 @!p3 $0x0;
	s4 =	smov.u32 s29  }
0xf7: {  	s29 =	smov.u32 @p3 s3;
	s4 =	smov.u32 @p3 s5;
	[tilespmem:$0xB8] =	vst @!p3 v1;
	[sflag:s31] =	ssyncpa.u1 $0x0  }
0xf8: {  	v1 =	vld.msk [tilespmem:s28+$0x0], $0x1;
	_ =	sdelay $0x4  }
0xf9: {  	(v2sf) =	vpush v1, $0x0;
	_ =	sdelay $0xe  }
0xfa: {  	s2 =	smul.u32 $0x28000, s2;
	s5 =	spop (v2sf)  }
0xfb: {  	s31 =	ssub.s32 $0x0, s0;
	p2 =	seq.s32 s29, s5  }
0xfc: {  	s3 =	smov.u32 s29;
	s2 =	sshrl.u32 s2, $0x2;
	p3 =	sgt.s32 @!p2 s29, $0x0  }
0xfd: {  	s30 =	sadd.s32 $0xAFA8, s2;
	s2 =	sadd.s32 $0x1, s31;
	p3 =	por !p3, p2  }
0xfe: {  	s3 =	simm.s32 @p3 $0x0;
	p3 =	seq.s32 s2, $0x0  }
.Ltmp10:
0xff: {  	_ = 	snop;
	(pc) =	sbr.rel @p3 .LBB2_15-.Ltmp10, $4  }
0x100: {  	_ = 	snop  }
0x101: {  	s0 =	simm.s32 $0x0;
	s9 =	simm.s32 @!p2 $0x1;
	s3 =	smin.u32 @!p2 s3, $0x1869F8  }
0x102: {  	s10 =	simm.s32 @!p2 $0x50C8;
	s9 =	smov.u32 @p2 s0;
	s7 =	sand.u32 @!p2 $0x1FFFF8, s3  }
0x103: {  	s16 =	sand.u32 @!p2 $0x7, s3;
	s3 =	sadd.s32 $0x1, s28;
	s11 =	sadd.s32 @!p2 s1, s7  }
.LBB2_14:
0x104: {  	s7 =	smov.u32 s9  }
0x105: {  	[tilespmem:s10], [sflag:$0x2] =	stream.linear.gather @!p2 [hbm4b:s11+s16], $0x40, $0x38;
	[tilespmem:$0x1EF88] =	vst v63  }
0x106: {  	s2 =	sadd.s32 $0x1, s2;
	s8 =	smov.u32 s5;
	v1 =	vld.msk [tilespmem:s3+$0x0], $0x1  }
0x107: {  	p3 =	seq.s32 s2, $0x0;
	_ =	sdelay $0x3  }
0x108: {  	(v2sf) =	vpush v1, $0x0;
	_ =	sdelay $0xe  }
0x109: {  	s5 =	spop (v2sf)  }
0x10a: {  	p2 =	seq.s32 s8, s5  }
0x10b: {  	p4 =	sgt.s32 @!p2 s8, $0x0;
	s10 =	sshll.u32 @!p2 s9, $0x8;
	s9 =	sadd.s32 @!p2 $0x1, s9  }
.Ltmp11:
0x10c: {  	p4 =	por !p4, p2;
	s10 =	sshra.s32 @!p2 s10, $0x2;
	(pc) =	sbr.rel @!p3 .LBB2_14-.Ltmp11, $4  }
0x10d: {  	s9 =	smov.u32 @p2 s7;
	s8 =	simm.s32 @p4 $0x0;
	s10 =	sadd.s32 @!p2 $0x50C8, s10  }
0x10e: {  	s7 =	smin.u32 @!p2 s8, $0x1869F8  }
0x10f: {  	s8 =	sand.u32 @!p2 $0x1FFFF8, s7;
	s16 =	sand.u32 @!p2 $0x7, s7  }
0x110: {  	s3 =	sadd.s32 $0x1, s3;
	s11 =	sadd.s32 @!p2 s1, s8  }
.LBB2_15:
0x111: {  	[tilespmem:s10], [sflag:$0x2] =	stream.linear.gather @!p2 [hbm4b:s11+s16], $0x40, $0x38;
	[tilespmem:$0x1EF88] =	vst v63  }
.Ltmp12:
0x112: {  	s2 =	sshll.u32 s9, $0x6;
	(pc) =	sbr.rel .LBB2_16-.Ltmp12, $4  }
0x113: {  	s3 =	simm.s32 $0x2;
	s2 =	sand.u32 $0x3FFFFFC0, s2  }
0x114: {  	_ =	swait.ge [sflag:s3], s2  }
0x115: {  	s2 =	ssub.s32 $0x0, s2;
	[sflag:s3] =	ssyncset.done $0x0  }
0x116: {  	[sflag:s3] =	ssyncadd.s32 s2;
	s2 =	simm.s32 $0x0  }
.LBB2_17:
0x117: {  	v1 =	vld [tilespmem:s30+$0xFFFFFFE0]  }
0x118: {  	v2 =	vld [tilespmem:s3+$0x88];
	_ =	sdelay $0x4  }
0x119: {  	v1 =	vmax.f32 v1, v2  }
0x11a: {  	v2 =	vld [tilespmem:s3+$0x98];
	[tilespmem:s3+$0x88] =	vst v1  }
0x11b: {  	v1 =	vld [tilespmem:s30+$0xFFFFFFF0];
	_ =	sdelay $0x4  }
0x11c: {  	v1 =	vmax.f32 v1, v2  }
0x11d: {  	v2 =	vld [tilespmem:s3+$0xA8];
	[tilespmem:s3+$0x98] =	vst v1  }
0x11e: {  	v1 =	vld [tilespmem:s30+$0x0];
	_ =	sdelay $0x4  }
0x11f: {  	v1 =	vmax.f32 v1, v2  }
0x120: {  	v2 =	vld [tilespmem:s3+$0xB8];
	[tilespmem:s3+$0xA8] =	vst v1  }
0x121: {  	v1 =	vld [tilespmem:s30+$0x10];
	_ =	sdelay $0x4  }
0x122: {  	v1 =	vmax.f32 v1, v2  }
0x123: {  	[tilespmem:s3+$0xB8] =	vst v1  }
.LBB2_21:
0x124: {  	s31 =	sadd.s32 $0x1, s31  }
0x125: {  	p2 =	seq.s32 s31, $0x0  }
.Ltmp13:
0x126: {  	_ = 	snop;
	(pc) =	sbr.rel @p2 .LBB2_22-.Ltmp13, $2  }
0x127: {  	_ =	sdelay $0x2  }
0x128: {  	s30 =	sadd.s32 $0x80, s30;
	s28 =	sadd.s32 $0x1, s28;
	s29 =	smov.u32 s5  }
.LBB2_16:
0x129: {  	v1 =	vld.msk [tilespmem:s28+$0x0], $0x1;
	_ =	sdelay $0x4  }
0x12a: {  	(v2sf) =	vpush v1, $0x0;
	_ =	sdelay $0xe  }
0x12b: {  	s5 =	spop (v2sf)  }
0x12c: {  	p2 =	sne.s32 s29, s5  }
.Ltmp14:
0x12d: {  	_ = 	snop;
	(pc) =	sbr.rel @!p2 .LBB2_17-.Ltmp14, $3  }
0x12e: {  	_ =	sdelay $0x1  }
0x12f: {  	s3 =	sshll.u32 s26, $0x8  }
0x130: {  	s3 =	sshra.s32 s3, $0x2  }
0x131: {  	p2 =	seq.s32 s29, s4  }
.Ltmp15:
0x132: {  	_ = 	snop;
	(pc) =	sbr.rel @!p2 .LBB2_19-.Ltmp15, $1  }
0x133: {  	_ =	sdelay $0x3  }
.Ltmp16:
0x134: {  	s3 =	sadd.s32 $0x88, s3;
	(pc) =	sbr.rel .LBB2_20-.Ltmp16, $4  }
0x135: {  	[spmem:s18] =	stream.linear.scatter [tilespmem:s3], [sflag:$0x1], $0x40, $0x38;
	[tilespmem:$0x1EF88] =	vst v63  }
0x136: {  	_ =	swait.ge [sflag:s13], $0x40  }
0x137: {  	[sflag:s13] =	ssyncset.done $0x0  }
0x138: {  	[sflag:s13] =	ssyncadd.s32 $0xFFFFFFC0  }
.LBB2_19:
0x139: {  	s7 =	sshll.u32 s0, $0x8  }
0x13a: {  	v2 =	vld [tilespmem:s3+$0x88];
	s7 =	sshra.s32 s7, $0x2  }
0x13b: {  	v1 =	vld [tilespmem:s7+$0x50C8];
	_ =	sdelay $0x4  }
0x13c: {  	v1 =	vmax.f32 v1, v2  }
0x13d: {  	v2 =	vld [tilespmem:s3+$0x98];
	[tilespmem:s3+$0x88] =	vst v1  }
0x13e: {  	v1 =	vld [tilespmem:s7+$0x50D8];
	_ =	sdelay $0x4  }
0x13f: {  	v1 =	vmax.f32 v1, v2  }
0x140: {  	v2 =	vld [tilespmem:s3+$0xA8];
	[tilespmem:s3+$0x98] =	vst v1  }
0x141: {  	v1 =	vld [tilespmem:s7+$0x50E8];
	_ =	sdelay $0x4  }
0x142: {  	v1 =	vmax.f32 v1, v2  }
0x143: {  	v2 =	vld [tilespmem:s3+$0xB8];
	[tilespmem:s3+$0xA8] =	vst v1  }
0x144: {  	v1 =	vld [tilespmem:s7+$0x50F8];
	_ =	sdelay $0x3  }
0x145: {  	p2 =	sgt.u32 s29, $0x1869F8  }
0x146: {  	s7 =	sand.u32 @!p2 $0x1FFFF8, s29;
	v1 =	vmax.f32 v1, v2  }
0x147: {  	s8 =	sadd.s32 $0x88, s3;
	[tilespmem:s3+$0xB8] =	vst v1;
	s3 =	sadd.s32 @!p2 s1, s7;
	s7 =	sand.u32 @!p2 $0x7, s29  }
0x148: {  	[hbm4b:s3+s7] =	stream.linear.scatter @!p2 [tilespmem:s8], [sflag:$0xC], $0x40, $0x38;
	[tilespmem:$0x1EF88] =	vst v63  }
0x149: {  	s3 =	simm.s32 $0x0  }
0x14a: {  	s3 =	simm.s32 @!p2 $0x100  }
0x14b: {  	s2 =	sadd.s32 s3, s2  }
.LBB2_20:
0x14c: {  	s3 =	sadd.s32 $0x1, s26  }
0x14d: {  	s7 =	smulhi.u32 $0xCCCCCCCD, s3;
	_ =	sdelay $0x1  }
0x14e: {  	v1 =	vld [tilespmem:s30+$0xFFFFFFE0];
	s7 =	sshrl.u32 s7, $0x8  }
0x14f: {  	s7 =	smul.u32 $0x140, s7;
	_ =	sdelay $0x1  }
0x150: {  	s26 =	ssub.s32 s3, s7  }
0x151: {  	s3 =	sshll.u32 s26, $0x6  }
0x152: {  	[tilespmem:s3+$0x88] =	vst v1  }
0x153: {  	v1 =	vld [tilespmem:s30+$0xFFFFFFF0];
	_ =	sdelay $0x4  }
0x154: {  	[tilespmem:s3+$0x98] =	vst v1  }
0x155: {  	v1 =	vld [tilespmem:s30+$0x0];
	_ =	sdelay $0x4  }
0x156: {  	[tilespmem:s3+$0xA8] =	vst v1  }
0x157: {  	v1 =	vld [tilespmem:s30+$0x10]  }
.Ltmp17:
0x158: {  	_ = 	snop;
	(pc) =	sbr.rel .LBB2_21-.Ltmp17, $2  }
0x159: {  	_ =	sdelay $0x2  }
0x15a: {  	s0 =	sadd.s32 $0x1, s0;
	[tilespmem:s3+$0xB8] =	vst v1  }
.LBB2_23:
.Ltmp18:
0x15b: {  	(pc) =	sbr.rel .LBB2_24-.Ltmp18, $4  }
0x15c: {  	_ = 	snop  }
0x15d: {  	s0 =	simm.s32 $0x2  }
0x15e: {  	_ =	swait.ge [sflag:s0], $0x0  }
0x15f: {  	s5 =	smov.u32 s29;
	[sflag:s0] =	ssyncset.done $0x0;
	s0 =	simm.s32 $0x0  }
.LBB2_26:
0x160: {  	_ =	sfence.sel $0x180000  }
0x161: {  	s0 =	simm.s32 $0x9;
	[bflag:$0x0] =	sbarrier.arrive $0xFFFF  }
0x162: {  	s24 =	simm.s32 $0xA;
	[sflag:s0] =	ssyncpa.u1 $0x1  }
0x163: {  	s25 =	simm.s32 $0xB;
	[sflag:s24] =	ssyncpa.u1 $0x1  }
0x164: {  	s26 =	simm.s32 $0x2;
	[sflag:s25] =	ssyncpa.u1 $0x1  }
0x165: {  	[sflag:s26] =	ssyncpa.u1 $0x1  }
0x166: {  	v0 =	vld [tilespmem:$0xA108];
	_ =	sdelay $0x4  }
0x167: {  	(v2sf) =	vpush v0, $0x0  }
0x168: {  	(v2sf) =	vpush v0, $0x1;
	_ =	sdelay $0x1  }
0x169: {  	(v2sf) =	vpush v0, $0x2;
	_ =	sdelay $0xb  }
0x16a: {  	s0 =	spop (v2sf)  }
0x16b: {  	s2 =	spop (v2sf)  }
0x16c: {  	s3 =	smov.u32 s0;
	p0 =	sne.s32 s0, s2  }
0x16d: {  	s4 =	spop (v2sf);
	s3 =	simm.s32 @!p0 $0xFFFFFFFF  }
0x16e: {  	v2 =	vimm.s32 $0x1;
	v3 =	vlaneseq.u32;
	p0 =	seq.s32 s4, $0xFFFFFFFF;
	v1 =	vmov s3  }
0x16f: {  	s14 =	stileid.u32;
	v0 =	vperm.xlane v0, v2;
	p1 =	sne.s32 @!p0 s0, s2;
	v1 =	vperm.xlane v1, v3  }
0x170: {  	vm0 =	vcmask $0x3F04;
	s6 =	simm.s32 $0xA108;
	s0 =	simm.s32 @!p0 $0x1;
	p1 =	por !p1, p0  }
0x171: {  	s3 =	sshll.u32 s14, $0x1;
	s2 =	sshll.u32 @!p0 s4, $0x8;
	s0 =	simm.s32 @p1 $0x0;
	v0 =	vsel vm0, v1, v0  }
0x172: {  	s5 =	sor.u32 $0x800, s3;
	s2 =	sshra.s32 @!p0 s2, $0x2;
	s0 =	sor.u32 @!p0 s0, s3;
	[tilespmem:$0xA108] =	vst v0  }
0x173: {  	[spmem:s5] =	stream.linear.scatter [tilespmem:s6], [sflag:$0x1], $0x2, $0x38;
	[tilespmem:$0x1EF88] =	vst v63  }
0x174: {  	s2 =	sadd.s32 @!p0 $0x88, s2;
	s0 =	sshll.u32 @!p0 s0, $0x6  }
0x175: {  	[spmem:s0] =	stream.linear.scatter @!p0 [tilespmem:s2], [sflag:$0x1], $0x40, $0x38;
	[tilespmem:$0x1EF88] =	vst v63  }
0x176: {  	s0 =	simm.s32 @!p0 $0x42  }
0x177: {  	s28 =	simm.s32 $0x1;
	s0 =	simm.s32 @p0 $0x2  }
0x178: {  	_ =	swait.ge [sflag:s28], s0  }
0x179: {  	s0 =	ssub.s32 $0x0, s0;
	[sflag:s28] =	ssyncset.done $0x0  }
0x17a: {  	p0 =	sne.s32 s14, $0x0;
	[sflag:s28] =	ssyncadd.s32 s0  }
.Ltmp19:
0x17b: {  	_ =	sfence.stream.spmem;
	(pc) =	sbr.rel @p0 .LBB2_43-.Ltmp19, $4  }
0x17c: {  	s29 =	simm.s32 $0x3;
	[bflag:$0x0] =	sbarrier.arrive $0xFFFF  }
0x17d: {  	s30 =	simm.s32 $0x4;
	[sflag:s29] =	ssyncpa.u1 $0x1  }
0x17e: {  	s31 =	simm.s32 $0x3C;
	[sflag:s30] =	ssyncpa.u1 $0x1  }
0x17f: {  	s13 =	rddreg [dreg:$0x4];
	[sflag:s31] =	ssyncpa.u1 $0x1  }
0x180: {  	_ =	sfence.stream.spmem;
	s0 =	simm.s32 $0x5  }
0x181: {  	s2 =	simm.s32 $0x800;
	s3 =	simm.s32 $0xA118;
	[sflag:s0] =	ssyncpa.u1 $0x0  }
0x182: {  	[tilespmem:s3], [sflag:$0x5] =	stream.linear.gather [spmem:s2], $0x20, $0x38;
	[tilespmem:$0x1EF88] =	vst v63  }
0x183: {  	s26 =	simm.s32 $0x0;
	s28 =	simm.s32 $0xA138  }
0x184: {  	[tilespmem:s28], [sflag:$0x5] =	stream.linear.gather [spmem:s26], $0x800, $0x38;
	[tilespmem:$0x1EF88] =	vst v63  }
0x185: {  	_ =	swait.ge [sflag:s0], $0x820  }
0x186: {  	[sflag:s0] =	ssyncset.done $0x0  }
0x187: {  	s29 =	simm.s32 $0x0;
	[sflag:s0] =	ssyncadd.s32 $0xFFFFF7E0  }
0x188: {  	v0 =	vld.msk [tilespmem:s29+$0xA118], $0x1;
	_ =	sdelay $0x1  }
0x189: {  	s30 =	simm.s32 $0x1  }
0x18a: {  	v1 =	vld.msk [tilespmem:s30+$0xA118], $0x1;
	_ =	sdelay $0x1  }
0x18b: {  	(v2sf) =	vpush v0, $0x0;
	_ =	sdelay $0x2  }
0x18c: {  	(v2sf) =	vpush v1, $0x0;
	_ =	sdelay $0x2  }
0x18d: {  	s31 =	simm.s32 $0x2  }
0x18e: {  	v0 =	vld.msk [tilespmem:s31+$0xA118], $0x1;
	_ =	sdelay $0x2  }
0x18f: {  	s2 =	simm.s32 $0xFFFFFFFF;
	s3 =	simm.s32 $0xFFFFFFFF;
	s0 =	simm.s32 $0xC  }
.LBB2_28:
0x190: {  	s4 =	smov.u32 s3;
	s5 =	smov.u32 s2  }
0x191: {  	s2 =	sshra.s32 s0, $0x2;
	p1 =	sne.s32 s0, $0x7C;
	s0 =	sadd.s32 $0x4, s0;
	(v2sf) =	vpush v0, $0x0  }
0x192: {  	v0 =	vld.msk [tilespmem:s2+$0xA118], $0x1  }
.Ltmp20:
0x193: {  	(pc) =	sbr.rel @p1 .LBB2_28-.Ltmp20, $4  }
0x194: {  	s3 =	spop (v2sf)  }
0x195: {  	p2 =	sne.s32 s5, $0xFFFFFFFF;
	s2 =	smov.u32 s3  }
0x196: {  	p3 =	seq.s32 s3, $0xFFFFFFFF;
	s2 =	smov.u32 @p2 s5  }
0x197: {  	s3 =	smov.u32 @p3 s4;
	s2 =	smov.u32 @p3 s5  }
0x198: {  	(v2sf) =	vpush v0, $0x0;
	_ =	sdelay $0x8  }
0x199: {  	s0 =	spop (v2sf)  }
0x19a: {  	p1 =	sne.s32 s2, $0xFFFFFFFF;
	s4 =	smov.u32 s0  }
0x19b: {  	s6 =	simm.s32 $0x0;
	p2 =	seq.s32 s0, $0xFFFFFFFF;
	s4 =	smov.u32 @p1 s2  }
0x19c: {  	s9 =	simm.s32 $0xA0C8;
	s4 =	smov.u32 @p2 s2;
	s2 =	spop (v2sf)  }
0x19d: {  	s0 =	smov.u32 @p2 s3;
	p1 =	sne.s32 s4, $0xFFFFFFFF;
	s5 =	smov.u32 s2  }
.Ltmp21:
0x19e: {  	p2 =	seq.s32 s2, $0xFFFFFFFF;
	s5 =	smov.u32 @p1 s4;
	(pc) =	sbr.rel .LBB2_30-.Ltmp21, $4  }
0x19f: {  	s10 =	simm.s32 $0x0;
	s5 =	smov.u32 @p2 s4;
	s7 =	spop (v2sf)  }
0x1a0: {  	s2 =	smov.u32 @p2 s0;
	p1 =	sne.s32 s5, $0xFFFFFFFF;
	s8 =	smov.u32 s7  }
0x1a1: {  	s0 =	simm.s32 $0x6;
	p2 =	seq.s32 s7, $0xFFFFFFFF;
	s8 =	smov.u32 @p1 s5  }
0x1a2: {  	[sflag:s0] =	ssyncpa.u1 $0x0;
	s7 =	smov.u32 @p2 s2;
	s8 =	smov.u32 @p2 s5  }
.LBB2_36:
0x1a3: {  	p1 =	sgt.u32 s2, $0x1869F8  }
0x1a4: {  	p2 =	seq.s32 @!p1 s2, s8  }
0x1a5: {  	p1 =	por p1, p2  }
0x1a6: {  	p2 =	sne.s32 @!p1 s2, s7  }
0x1a7: {  	p1 =	por p1, !p2  }
0x1a8: {  	s2 =	sshll.u32 @p1 s10, $0x8  }
0x1a9: {  	s3 =	sand.u32 @!p1 $0x1FFFF8, s2  }
0x1aa: {  	s2 =	sand.u32 @!p1 $0x7, s2;
	s3 =	sadd.s32 @!p1 s1, s3  }
0x1ab: {  	[tilespmem:s9], [sflag:$0x6] =	stream.linear.gather @!p1 [hbm4b:s3+s2], $0x40, $0x38;
	[tilespmem:$0x1EF88] =	vst v63  }
0x1ac: {  	_ =	swait.ge @!p1 [sflag:s0], $0x40  }
0x1ad: {  	[sflag:s0] =	ssyncset.done @!p1 $0x0  }
0x1ae: {  	s2 =	sshll.u32 @!p1 s10, $0x8;
	[sflag:s0] =	ssyncadd.s32 @!p1 $0xFFFFFFC0  }
0x1af: {  	s3 =	sshrl.u32 @!p1 s2, $0x2;
	v1 =	vld @!p1 [tilespmem:$0xA0C8]  }
0x1b0: {  	v2 =	vld @!p1 [tilespmem:s3+$0xA138];
	_ =	sdelay $0x4  }
0x1b1: {  	v1 =	vmax.f32 @!p1 v1, v2  }
0x1b2: {  	v2 =	vld @!p1 [tilespmem:s3+$0xA148];
	[tilespmem:s3+$0xA138] =	vst @!p1 v1  }
0x1b3: {  	v1 =	vld @!p1 [tilespmem:$0xA0D8];
	_ =	sdelay $0x4  }
0x1b4: {  	v1 =	vmax.f32 @!p1 v1, v2  }
0x1b5: {  	v2 =	vld @!p1 [tilespmem:s3+$0xA158];
	[tilespmem:s3+$0xA148] =	vst @!p1 v1  }
0x1b6: {  	v1 =	vld @!p1 [tilespmem:$0xA0E8];
	_ =	sdelay $0x4  }
0x1b7: {  	v1 =	vmax.f32 @!p1 v1, v2  }
0x1b8: {  	v2 =	vld @!p1 [tilespmem:s3+$0xA168];
	[tilespmem:s3+$0xA158] =	vst @!p1 v1  }
0x1b9: {  	v1 =	vld @!p1 [tilespmem:$0xA0F8];
	_ =	sdelay $0x4  }
0x1ba: {  	v1 =	vmax.f32 @!p1 v1, v2  }
0x1bb: {  	[tilespmem:s3+$0xA168] =	vst @!p1 v1  }
0x1bc: {  	s2 =	sshrl.u32 s2, $0x2;
	[tilespmem:s6+$0xA118] =	vst.msk $0x1, v0  }
0x1bd: {  	v0 =	vld [tilespmem:s2+$0xA138];
	_ =	sdelay $0x2  }
0x1be: {  	s31 =	sshll.u32 s6, $0x8  }
0x1bf: {  	s3 =	sshra.s32 s31, $0x2  }
0x1c0: {  	[tilespmem:s3+$0xA138] =	vst v0  }
0x1c1: {  	v0 =	vld [tilespmem:s2+$0xA148];
	_ =	sdelay $0x4  }
0x1c2: {  	[tilespmem:s3+$0xA148] =	vst v0  }
0x1c3: {  	v0 =	vld [tilespmem:s2+$0xA158];
	_ =	sdelay $0x4  }
0x1c4: {  	[tilespmem:s3+$0xA158] =	vst v0  }
0x1c5: {  	v0 =	vld [tilespmem:s2+$0xA168];
	_ =	sdelay $0x4  }
0x1c6: {  	s6 =	sadd.s32 $0x1, s6;
	[tilespmem:s3+$0xA168] =	vst v0  }
.LBB2_37:
0x1c7: {  	s10 =	sadd.s32 $0x1, s10  }
0x1c8: {  	p1 =	sne.s32 s10, $0x20  }
.Ltmp22:
0x1c9: {  	_ = 	snop;
	(pc) =	sbr.rel @!p1 .LBB2_38-.Ltmp22, $1  }
0x1ca: {  	_ =	sdelay $0x3  }
.LBB2_30:
0x1cb: {  	v0 =	vld.msk [tilespmem:s10+$0xA118], $0x1;
	_ =	sdelay $0x4  }
0x1cc: {  	(v2sf) =	vpush v0, $0x0;
	_ =	sdelay $0xe  }
0x1cd: {  	s2 =	spop (v2sf)  }
0x1ce: {  	p1 =	seq.s32 s2, $0xFFFFFFFF  }
.Ltmp23:
0x1cf: {  	_ = 	snop;
	(pc) =	sbr.rel @p1 .LBB2_37-.Ltmp23, $1  }
0x1d0: {  	_ =	sdelay $0x3  }
0x1d1: {  	p1 =	slt.s32 s6, $0x1  }
.Ltmp24:
0x1d2: {  	_ = 	snop;
	(pc) =	sbr.rel @p1 .LBB2_36-.Ltmp24, $1  }
0x1d3: {  	_ =	sdelay $0x3  }
0x1d4: {  	s3 =	simm.s32 $0xA118;
	p1 =	por $0x0, $0x0  }
0x1d5: {  	v1 =	vld.msk @!p1 [tilespmem:s3+$0x0], $0x1;
	_ =	sdelay $0x4  }
0x1d6: {  	(v2sf) =	vpush @!p1 v1, $0x0;
	_ =	sdelay $0xd  }
0x1d7: {  	p3 =	sne.s32 s6, $0x1  }
.Ltmp25:
0x1d8: {  	s4 =	spop @!p1 (v2sf);
	(pc) =	sbr.rel @!p3 .LBB2_34-.Ltmp25, $4  }
0x1d9: {  	p2 =	seq.s32 @!p1 s2, s4  }
0x1da: {  	s4 =	simm.s32 $0x0;
	p2 =	por !p2, p1  }
0x1db: {  	s11 =	simm.s32 $0xFFFFFFFF;
	s4 =	simm.s32 @p2 $0xFFFFFFFF  }
0x1dc: {  	s5 =	simm.s32 $0x1;
	s4 =	smov.u32 @p1 s11  }
.LBB2_33:
0x1dd: {  	s11 =	smov.u32 s4;
	p1 =	sne.s32 s4, $0xFFFFFFFF  }
0x1de: {  	s3 =	sadd.s32 $0x1, s3;
	s4 =	smov.u32 s5;
	s5 =	sadd.s32 $0x1, s5  }
0x1df: {  	p2 =	sne.s32 s6, s5;
	v1 =	vld.msk @!p1 [tilespmem:s3+$0x0], $0x1;
	_ =	sdelay $0x4  }
0x1e0: {  	(v2sf) =	vpush @!p1 v1, $0x0;
	_ =	sdelay $0xe  }
.Ltmp26:
0x1e1: {  	s12 =	spop @!p1 (v2sf);
	(pc) =	sbr.rel @p2 .LBB2_33-.Ltmp26, $4  }
0x1e2: {  	p3 =	seq.s32 @!p1 s2, s12  }
0x1e3: {  	p3 =	por !p3, p1  }
0x1e4: {  	s4 =	simm.s32 @p3 $0xFFFFFFFF  }
0x1e5: {  	s4 =	smov.u32 @p1 s11  }
.LBB2_34:
0x1e6: {  	p1 =	seq.s32 s4, $0xFFFFFFFF  }
.Ltmp27:
0x1e7: {  	_ = 	snop;
	(pc) =	sbr.rel @p1 .LBB2_36-.Ltmp27, $1  }
0x1e8: {  	_ =	sdelay $0x3  }
0x1e9: {  	s2 =	sshll.u32 s10, $0x6  }
0x1ea: {  	s3 =	sshll.u32 s4, $0x8;
	s2 =	sand.u32 $0x3FFFFFC0, s2  }
0x1eb: {  	s3 =	sshra.s32 s3, $0x2;
	v0 =	vld [tilespmem:s2+$0xA138]  }
0x1ec: {  	v1 =	vld [tilespmem:s3+$0xA138];
	_ =	sdelay $0x4  }
0x1ed: {  	v0 =	vmax.f32 v0, v1  }
0x1ee: {  	v61 =	vld [tilespmem:s3+$0xA148];
	[tilespmem:s3+$0xA138] =	vst v0  }
0x1ef: {  	v0 =	vld [tilespmem:s2+$0xA148];
	_ =	sdelay $0x4  }
0x1f0: {  	v0 =	vmax.f32 v0, v61  }
0x1f1: {  	v62 =	vld [tilespmem:s3+$0xA158];
	[tilespmem:s3+$0xA148] =	vst v0  }
0x1f2: {  	v0 =	vld [tilespmem:s2+$0xA158];
	_ =	sdelay $0x4  }
0x1f3: {  	v0 =	vmax.f32 v0, v62  }
0x1f4: {  	v63 =	vld [tilespmem:s3+$0xA168];
	[tilespmem:s3+$0xA158] =	vst v0  }
0x1f5: {  	v0 =	vld [tilespmem:s2+$0xA168];
	_ =	sdelay $0x1  }
.Ltmp28:
0x1f6: {  	_ = 	snop;
	(pc) =	sbr.rel .LBB2_37-.Ltmp28, $3  }
0x1f7: {  	_ =	sdelay $0x1  }
0x1f8: {  	v0 =	vmax.f32 v0, v63  }
0x1f9: {  	[tilespmem:s3+$0xA168] =	vst v0  }
.LBB2_38:
0x1fa: {  	s0 =	simm.s32 $0x6;
	p1 =	seq.s32 s6, $0x0  }
0x1fb: {  	[sflag:s0] =	ssyncpa.u1 $0x1;
	v0 =	vimm.s32 @p1 $0xFFFFFFFF  }
0x1fc: {  	s0 =	sadd.s32 $0xFFFFFFFF, s6;
	[tilespmem:$0xA938] =	vst @p1 v0  }
0x1fd: {  	v0 =	vld.msk @!p1 [tilespmem:s0+$0xA118], $0x1;
	_ =	sdelay $0x1  }
0x1fe: {  	v1 =	vld.msk @!p1 [tilespmem:$0xA118], $0x1;
	_ =	sdelay $0x2  }
0x1ff: {  	p2 =	seq.s32 @!p1 s0, $0x0;
	v0 =	vbroadcast @!p1 v0, $0x0  }
0x200: {  	vm0 =	vmmov @!p1 $0x1;
	p2 =	por !p2, p1  }
0x201: {  	v1 =	vnsel @!p1 vm0, $0xFFFFFFFF, v1;
	vm0 =	vcmask @!p1 $0x308;
	v0 =	vpsel !p2, $0xFFFFFFFF, v0  }
0x202: {  	p2 =	sne.s32 @!p1 s8, s7;
	v0 =	vsel @!p1 vm0, v1, v0  }
0x203: {  	s2 =	simm.s32 @!p1 $0xA138;
	s3 =	simm.s32 @!p1 $0x0;
	p3 =	por !p2, p1;
	[tilespmem:$0xA938] =	vst @!p1 v0  }
0x204: {  	[spmem:s3] =	stream.linear.scatter @!p1 [tilespmem:s2], [sflag:$0x1], $0x40, $0x38;
	[tilespmem:$0x1EF88] =	vst v63  }
0x205: {  	s2 =	sshll.u32 @!p3 s0, $0x8  }
0x206: {  	s2 =	sshra.s32 @!p3 s2, $0x2  }
0x207: {  	s3 =	simm.s32 @!p3 $0x40;
	s2 =	sadd.s32 @!p3 $0xA138, s2  }
0x208: {  	[spmem:s3] =	stream.linear.scatter @!p3 [tilespmem:s2], [sflag:$0x1], $0x40, $0x38;
	[tilespmem:$0x1EF88] =	vst v63  }
0x209: {  	s2 =	simm.s32 @!p3 $0x1  }
0x20a: {  	_ =	swait.ge @!p3 [sflag:s2], $0x80  }
0x20b: {  	p1 =	por p2, p1;
	[sflag:s2] =	ssyncset.done @!p3 $0x0  }
0x20c: {  	[sflag:s2] =	ssyncadd.s32 @!p3 $0xFFFFFF80;
	s2 =	simm.s32 @!p1 $0x1  }
0x20d: {  	_ =	swait.ge @!p1 [sflag:s2], $0x40  }
0x20e: {  	s29 =	simm.s32 $0xA938;
	[sflag:s2] =	ssyncset.done @!p1 $0x0  }
0x20f: {  	s30 =	simm.s32 $0x800;
	s31 =	simm.s32 $0x1;
	[sflag:s2] =	ssyncadd.s32 @!p1 $0xFFFFFFC0  }
0x210: {  	[spmem:s30] =	stream.linear.scatter [tilespmem:s29], [sflag:$0x1], $0x10, $0x38;
	[tilespmem:$0x1EF88] =	vst v63  }
0x211: {  	_ =	swait.ge [sflag:s31], $0x10  }
0x212: {  	[sflag:s31] =	ssyncset.done $0x0  }
0x213: {  	p1 =	seq.s32 s13, $0x0;
	s9 =	rddreg [dreg:$0x1];
	[sflag:s31] =	ssyncadd.s32 $0xFFFFFFF0  }
0x214: {  	s3 =	sshll.u32 @p1 s9, $0xE;
	s8 =	rddreg [dreg:$0x2]  }
0x215: {  	s2 =	sadd.s32 @p1 $0x15C3C, s3;
	s3 =	sshll.u32 @p1 s8, $0x11  }
0x216: {  	_ =	sfence.stream.spmem;
	s2 =	sor.u32 @p1 s3, s2  }
0x217: {  	[sflag:s2] =	ssyncadd.remote.s32 @p1 $0x1;
	s2 =	simm.s32 @p1 $0x4  }
0x218: {  	s4 =	simm.s32 @!p1 $0x3C;
	s3 =	sand.u32 $0xFFFFFFFE, s9;
	_ =	swait.ge @p1 [sflag:s2], $0x12  }
0x219: {  	s5 =	simm.s32 @!p1 $0x0;
	s3 =	sadd.s32 @!p1 $0x4, s3;
	[sflag:s2] =	ssyncset.done @p1 $0x0  }
0x21a: {  	s7 =	simm.s32 @!p1 $0x80;
	[sflag:s2] =	ssyncadd.s32 @p1 $0xFFFFFFEE;
	s2 =	sshll.u32 @!p1 s3, $0x1A  }
0x21b: {  	s3 =	sshll.u32 @!p1 s3, $0xD;
	s2 =	sor.u32 @!p1 s2, s8;
	_ =	swait.eq @!p1 [sflag:s4], $0x1  }
0x21c: {  	s3 =	sor.u32 @!p1 $0x1C04, s3;
	s4 =	simm.s32 @!p1 $0x1C03;
	s2 =	sor.u32 @!p1 $0x80004000, s2  }
0x21d: {  	[spmem:s7], [sflag:s3] =	dma.general @!p1 [spmem:s5], [sflag:s4], length:$0x10, [dreg:$0x0], stride_count:$0x0, ici_dest:s2, dma_misc:DstOpCode:WRITE  }
0x21e: {  	p2 =	slt.s32 s0, $0x2;
	s5 =	simm.s32 @!p1 $0x100;
	s7 =	simm.s32 @!p1 $0x102  }
0x21f: {  	[spmem:s7], [sflag:s3] =	dma.general @!p1 [spmem:s5], [sflag:s4], length:$0x2, [dreg:$0x0], stride_count:$0x0, ici_dest:s2, dma_misc:DstOpCode:WRITE  }
.Ltmp29:
0x220: {  	s2 =	simm.s32 @!p1 $0x3;
	(pc) =	sbr.rel @p2 .LBB2_42-.Ltmp29, $4  }
0x221: {  	s3 =	sshll.u32 @!p1 s9, $0xE;
	_ =	swait.ge @!p1 [sflag:s2], $0x12  }
0x222: {  	s4 =	sshll.u32 @!p1 s8, $0x11;
	s3 =	sadd.s32 @!p1 $0x11C3C, s3;
	[sflag:s2] =	ssyncset.done @!p1 $0x0  }
0x223: {  	[sflag:s2] =	ssyncadd.s32 @!p1 $0xFFFFFFEE;
	s2 =	sor.u32 @!p1 s4, s3  }
0x224: {  	s0 =	simm.s32 $0x0;
	[sflag:s2] =	ssyncadd.remote.s32 @!p1 $0xFFFFFFFF  }
0x225: {  	s0 =	simm.s32 $0xA119  }
0x226: {  	v0 =	vld.msk [tilespmem:s0+$0x0], $0x1;
	_ =	sdelay $0x4  }
0x227: {  	(v2sf) =	vpush v0, $0x0;
	_ =	sdelay $0xc  }
0x228: {  	s2 =	sadd.s32 $0xFFFFFFFE, s6  }
0x229: {  	s2 =	sadd.s32 $0xFFFFFFFF, s2  }
0x22a: {  	p2 =	sne.s32 s2, $0x0;
	s3 =	spop (v2sf)  }
.Ltmp30:
0x22b: {  	p1 =	sgt.u32 s3, $0x1869F8;
	(pc) =	sbr.rel @!p2 .LBB2_41-.Ltmp30, $4  }
0x22c: {  	s5 =	simm.s32 $0x0;
	s4 =	sand.u32 @!p1 $0x1FFFF8, s3  }
0x22d: {  	s0 =	simm.s32 $0xA178;
	s3 =	sand.u32 @!p1 $0x7, s3;
	s4 =	sadd.s32 @!p1 s1, s4  }
0x22e: {  	[hbm4b:s4+s3] =	stream.linear.scatter @!p1 [tilespmem:s0], [sflag:$0x5], $0x40, $0x38;
	[tilespmem:$0x1EF88] =	vst v63  }
0x22f: {  	s5 =	simm.s32 @!p1 $0x100;
	s3 =	simm.s32 $0x0;
	s4 =	simm.s32 $0xA11A  }
.LBB2_40:
0x230: {  	v0 =	vld.msk [tilespmem:s4+$0x0], $0x1;
	s2 =	sadd.s32 $0xFFFFFFFF, s2;
	s3 =	sadd.s32 s3, s5  }
0x231: {  	p1 =	sne.s32 s2, $0x0;
	_ =	sdelay $0x3  }
0x232: {  	(v2sf) =	vpush v0, $0x0;
	_ =	sdelay $0xe  }
.Ltmp31:
0x233: {  	s6 =	spop (v2sf);
	(pc) =	sbr.rel @p1 .LBB2_40-.Ltmp31, $4  }
0x234: {  	s5 =	simm.s32 $0x0;
	p2 =	sgt.u32 s6, $0x1869F8  }
0x235: {  	s0 =	sadd.s32 $0x40, s0;
	s5 =	simm.s32 @!p2 $0x100;
	s7 =	sand.u32 @!p2 $0x1FFFF8, s6  }
0x236: {  	s4 =	sadd.s32 $0x1, s4;
	s6 =	sand.u32 @!p2 $0x7, s6;
	s7 =	sadd.s32 @!p2 s1, s7  }
0x237: {  	[hbm4b:s7+s6] =	stream.linear.scatter @!p2 [tilespmem:s0], [sflag:$0x5], $0x40, $0x38;
	[tilespmem:$0x1EF88] =	vst v63  }
.LBB2_41:
0x238: {  	s0 =	sadd.s32 s3, s5  }
0x239: {  	s0 =	sshrl.u32 s0, $0x2  }
.LBB2_42:
0x23a: {  	s2 =	simm.s32 $0x5  }
0x23b: {  	_ =	swait.ge [sflag:s2], s0  }
0x23c: {  	s31 =	ssub.s32 $0x0, s0;
	[sflag:s2] =	ssyncset.done $0x0  }
0x23d: {  	[sflag:s2] =	ssyncadd.s32 s31  }
0x23e: {  	[sflag:s2] =	ssyncpa.u1 $0x1  }
.LBB2_43:
0x23f: {  	s0 =	sor.u32 s13, s14  }
0x240: {  	p1 =	sne.s32 s0, $0x0  }
.Ltmp32:
0x241: {  	_ = 	snop;
	(pc) =	sbr.rel @p1 .LBB2_58-.Ltmp32, $3  }
0x242: {  	_ =	sdelay $0x1  }
0x243: {  	[bflag:$0x0] =	sbarrier.arrive $0xFFFF  }
0x244: {  	_ =	sfence  }
0x245: {  	s2 =	simm.s32 $0x7  }
0x246: {  	s0 =	simm.s32 $0x800;
	s3 =	simm.s32 $0xA118;
	[sflag:s2] =	ssyncpa.u1 $0x0  }
0x247: {  	[tilespmem:s3], [sflag:$0x7] =	stream.linear.gather [spmem:s0], $0x20, $0x38;
	[tilespmem:$0x1EF88] =	vst v63  }
0x248: {  	s30 =	simm.s32 $0xA138;
	s0 =	simm.s32 $0x0  }
0x249: {  	[tilespmem:s30], [sflag:$0x7] =	stream.linear.gather [spmem:s0], $0x800, $0x38;
	[tilespmem:$0x1EF88] =	vst v63  }
.Ltmp33:
0x24a: {  	_ = 	snop;
	(pc) =	sbr.rel .LBB2_45-.Ltmp33, $4  }
0x24b: {  	_ =	swait.ge [sflag:s2], $0x820  }
0x24c: {  	[sflag:s2] =	ssyncset.done $0x0  }
0x24d: {  	s31 =	simm.s32 $0x8;
	[sflag:s2] =	ssyncadd.s32 $0xFFFFF7E0  }
0x24e: {  	s2 =	simm.s32 $0x0;
	[sflag:s31] =	ssyncpa.u1 $0x0  }
.LBB2_51:
0x24f: {  	p1 =	slt.u32 s3, $0x1869F9  }
0x250: {  	s4 =	sand.u32 @p1 $0x1FFFF8, s3  }
0x251: {  	s3 =	sand.u32 @p1 $0x7, s3;
	s5 =	simm.s32 @p1 $0xA0C8;
	s4 =	sadd.s32 @p1 s1, s4  }
0x252: {  	[tilespmem:s5], [sflag:$0x8] =	stream.linear.gather @p1 [hbm4b:s4+s3], $0x40, $0x38;
	[tilespmem:$0x1EF88] =	vst v63  }
0x253: {  	s3 =	simm.s32 @p1 $0x8  }
0x254: {  	_ =	swait.ge @p1 [sflag:s3], $0x40  }
0x255: {  	[sflag:s3] =	ssyncset.done @p1 $0x0  }
0x256: {  	[sflag:s3] =	ssyncadd.s32 @p1 $0xFFFFFFC0;
	s3 =	sshll.u32 @p1 s2, $0x8  }
0x257: {  	s4 =	sshrl.u32 @p1 s3, $0x2;
	v1 =	vld @p1 [tilespmem:$0xA0C8]  }
0x258: {  	v2 =	vld @p1 [tilespmem:s4+$0xA138];
	_ =	sdelay $0x4  }
0x259: {  	v1 =	vmax.f32 @p1 v1, v2  }
0x25a: {  	v2 =	vld @p1 [tilespmem:s4+$0xA148];
	[tilespmem:s4+$0xA138] =	vst @p1 v1  }
0x25b: {  	v1 =	vld @p1 [tilespmem:$0xA0D8];
	_ =	sdelay $0x4  }
0x25c: {  	v1 =	vmax.f32 @p1 v1, v2  }
0x25d: {  	v2 =	vld @p1 [tilespmem:s4+$0xA158];
	[tilespmem:s4+$0xA148] =	vst @p1 v1  }
0x25e: {  	v1 =	vld @p1 [tilespmem:$0xA0E8];
	_ =	sdelay $0x4  }
0x25f: {  	v1 =	vmax.f32 @p1 v1, v2  }
0x260: {  	v2 =	vld @p1 [tilespmem:s4+$0xA168];
	[tilespmem:s4+$0xA158] =	vst @p1 v1  }
0x261: {  	v1 =	vld @p1 [tilespmem:$0xA0F8];
	_ =	sdelay $0x4  }
0x262: {  	s5 =	sshll.u32 @!p1 s2, $0x8;
	v1 =	vmax.f32 @p1 v1, v2  }
0x263: {  	s5 =	smov.u32 @p1 s3;
	[tilespmem:s4+$0xA168] =	vst @p1 v1  }
0x264: {  	s3 =	sshrl.u32 s5, $0x2;
	[tilespmem:s0+$0xA118] =	vst.msk $0x1, v0  }
0x265: {  	v0 =	vld [tilespmem:s3+$0xA138];
	_ =	sdelay $0x2  }
0x266: {  	s31 =	sshll.u32 s0, $0x8  }
0x267: {  	s4 =	sshra.s32 s31, $0x2  }
0x268: {  	[tilespmem:s4+$0xA138] =	vst v0  }
0x269: {  	v0 =	vld [tilespmem:s3+$0xA148];
	_ =	sdelay $0x4  }
0x26a: {  	[tilespmem:s4+$0xA148] =	vst v0  }
0x26b: {  	v0 =	vld [tilespmem:s3+$0xA158];
	_ =	sdelay $0x4  }
0x26c: {  	[tilespmem:s4+$0xA158] =	vst v0  }
0x26d: {  	v0 =	vld [tilespmem:s3+$0xA168];
	_ =	sdelay $0x4  }
0x26e: {  	s0 =	sadd.s32 $0x1, s0;
	[tilespmem:s4+$0xA168] =	vst v0  }
.LBB2_52:
0x26f: {  	s2 =	sadd.s32 $0x1, s2  }
0x270: {  	p1 =	sne.s32 s2, $0x20  }
.Ltmp34:
0x271: {  	_ = 	snop;
	(pc) =	sbr.rel @!p1 .LBB2_53-.Ltmp34, $1  }
0x272: {  	_ =	sdelay $0x3  }
.LBB2_45:
0x273: {  	v0 =	vld.msk [tilespmem:s2+$0xA118], $0x1;
	_ =	sdelay $0x4  }
0x274: {  	(v2sf) =	vpush v0, $0x0;
	_ =	sdelay $0xe  }
0x275: {  	s3 =	spop (v2sf)  }
0x276: {  	p1 =	seq.s32 s3, $0xFFFFFFFF  }
.Ltmp35:
0x277: {  	_ = 	snop;
	(pc) =	sbr.rel @p1 .LBB2_52-.Ltmp35, $1  }
0x278: {  	_ =	sdelay $0x3  }
0x279: {  	p1 =	slt.s32 s0, $0x1  }
.Ltmp36:
0x27a: {  	_ = 	snop;
	(pc) =	sbr.rel @p1 .LBB2_51-.Ltmp36, $1  }
0x27b: {  	_ =	sdelay $0x3  }
0x27c: {  	s4 =	simm.s32 $0xA118;
	p1 =	por $0x0, $0x0  }
0x27d: {  	v1 =	vld.msk @!p1 [tilespmem:s4+$0x0], $0x1;
	_ =	sdelay $0x4  }
0x27e: {  	(v2sf) =	vpush @!p1 v1, $0x0;
	_ =	sdelay $0xd  }
0x27f: {  	p3 =	sne.s32 s0, $0x1  }
.Ltmp37:
0x280: {  	s5 =	spop @!p1 (v2sf);
	(pc) =	sbr.rel @!p3 .LBB2_49-.Ltmp37, $4  }
0x281: {  	p2 =	seq.s32 @!p1 s3, s5  }
0x282: {  	s5 =	simm.s32 $0x0;
	p2 =	por !p2, p1  }
0x283: {  	s7 =	simm.s32 $0xFFFFFFFF;
	s5 =	simm.s32 @p2 $0xFFFFFFFF  }
0x284: {  	s6 =	simm.s32 $0x1;
	s5 =	smov.u32 @p1 s7  }
.LBB2_48:
0x285: {  	s7 =	smov.u32 s5;
	p1 =	sne.s32 s5, $0xFFFFFFFF  }
0x286: {  	s4 =	sadd.s32 $0x1, s4;
	s5 =	smov.u32 s6;
	s6 =	sadd.s32 $0x1, s6  }
0x287: {  	p2 =	sne.s32 s0, s6;
	v1 =	vld.msk @!p1 [tilespmem:s4+$0x0], $0x1;
	_ =	sdelay $0x4  }
0x288: {  	(v2sf) =	vpush @!p1 v1, $0x0;
	_ =	sdelay $0xe  }
.Ltmp38:
0x289: {  	s8 =	spop @!p1 (v2sf);
	(pc) =	sbr.rel @p2 .LBB2_48-.Ltmp38, $4  }
0x28a: {  	p3 =	seq.s32 @!p1 s3, s8  }
0x28b: {  	p3 =	por !p3, p1  }
0x28c: {  	s5 =	simm.s32 @p3 $0xFFFFFFFF  }
0x28d: {  	s5 =	smov.u32 @p1 s7  }
.LBB2_49:
0x28e: {  	p1 =	seq.s32 s5, $0xFFFFFFFF  }
.Ltmp39:
0x28f: {  	_ = 	snop;
	(pc) =	sbr.rel @p1 .LBB2_51-.Ltmp39, $1  }
0x290: {  	_ =	sdelay $0x3  }
0x291: {  	s3 =	sshll.u32 s2, $0x6  }
0x292: {  	s4 =	sshll.u32 s5, $0x8;
	s3 =	sand.u32 $0x3FFFFFC0, s3  }
0x293: {  	s4 =	sshra.s32 s4, $0x2;
	v0 =	vld [tilespmem:s3+$0xA138]  }
0x294: {  	v1 =	vld [tilespmem:s4+$0xA138];
	_ =	sdelay $0x4  }
0x295: {  	v0 =	vmax.f32 v0, v1  }
0x296: {  	v61 =	vld [tilespmem:s4+$0xA148];
	[tilespmem:s4+$0xA138] =	vst v0  }
0x297: {  	v0 =	vld [tilespmem:s3+$0xA148];
	_ =	sdelay $0x4  }
0x298: {  	v0 =	vmax.f32 v0, v61  }
0x299: {  	v62 =	vld [tilespmem:s4+$0xA158];
	[tilespmem:s4+$0xA148] =	vst v0  }
0x29a: {  	v0 =	vld [tilespmem:s3+$0xA158];
	_ =	sdelay $0x4  }
0x29b: {  	v0 =	vmax.f32 v0, v62  }
0x29c: {  	v63 =	vld [tilespmem:s4+$0xA168];
	[tilespmem:s4+$0xA158] =	vst v0  }
0x29d: {  	v0 =	vld [tilespmem:s3+$0xA168];
	_ =	sdelay $0x1  }
.Ltmp40:
0x29e: {  	_ = 	snop;
	(pc) =	sbr.rel .LBB2_52-.Ltmp40, $3  }
0x29f: {  	_ =	sdelay $0x1  }
0x2a0: {  	v0 =	vmax.f32 v0, v63  }
0x2a1: {  	[tilespmem:s4+$0xA168] =	vst v0  }
.LBB2_53:
0x2a2: {  	p1 =	slt.s32 s0, $0x1  }
.Ltmp41:
0x2a3: {  	_ = 	snop;
	(pc) =	sbr.rel @p1 .LBB2_57-.Ltmp41, $3  }
0x2a4: {  	_ =	sdelay $0x1  }
0x2a5: {  	s2 =	simm.s32 $0x8  }
0x2a6: {  	[sflag:s2] =	ssyncpa.u1 $0x1;
	s2 =	simm.s32 $0x0  }
0x2a7: {  	s3 =	simm.s32 $0xA118  }
0x2a8: {  	v0 =	vld.msk [tilespmem:s3+$0x0], $0x1;
	_ =	sdelay $0x4  }
0x2a9: {  	(v2sf) =	vpush v0, $0x0;
	_ =	sdelay $0xe  }
0x2aa: {  	s0 =	sadd.s32 $0xFFFFFFFF, s0;
	s4 =	spop (v2sf)  }
0x2ab: {  	p2 =	sne.s32 s0, $0x0;
	p1 =	sgt.u32 s4, $0x1869F8  }
.Ltmp42:
0x2ac: {  	s5 =	sand.u32 @!p1 $0x1FFFF8, s4;
	(pc) =	sbr.rel @!p2 .LBB2_56-.Ltmp42, $4  }
0x2ad: {  	s3 =	simm.s32 $0xA138;
	s4 =	sand.u32 @!p1 $0x7, s4;
	s5 =	sadd.s32 @!p1 s1, s5  }
0x2ae: {  	[hbm4b:s5+s4] =	stream.linear.scatter @!p1 [tilespmem:s3], [sflag:$0x7], $0x40, $0x38;
	[tilespmem:$0x1EF88] =	vst v63  }
0x2af: {  	s5 =	simm.s32 $0x0  }
0x2b0: {  	s4 =	simm.s32 $0xA119;
	s5 =	simm.s32 @!p1 $0x100  }
.LBB2_55:
0x2b1: {  	v0 =	vld.msk [tilespmem:s4+$0x0], $0x1;
	s0 =	sadd.s32 $0xFFFFFFFF, s0;
	s2 =	sadd.s32 s2, s5  }
0x2b2: {  	p1 =	sne.s32 s0, $0x0;
	_ =	sdelay $0x3  }
0x2b3: {  	(v2sf) =	vpush v0, $0x0;
	_ =	sdelay $0xe  }
.Ltmp43:
0x2b4: {  	s6 =	spop (v2sf);
	(pc) =	sbr.rel @p1 .LBB2_55-.Ltmp43, $4  }
0x2b5: {  	s5 =	simm.s32 $0x0;
	p2 =	sgt.u32 s6, $0x1869F8  }
0x2b6: {  	s3 =	sadd.s32 $0x40, s3;
	s5 =	simm.s32 @!p2 $0x100;
	s7 =	sand.u32 @!p2 $0x1FFFF8, s6  }
0x2b7: {  	s4 =	sadd.s32 $0x1, s4;
	s6 =	sand.u32 @!p2 $0x7, s6;
	s7 =	sadd.s32 @!p2 s1, s7  }
0x2b8: {  	[hbm4b:s7+s6] =	stream.linear.scatter @!p2 [tilespmem:s3], [sflag:$0x7], $0x40, $0x38;
	[tilespmem:$0x1EF88] =	vst v63  }
.LBB2_56:
0x2b9: {  	s0 =	sadd.s32 s2, s5  }
0x2ba: {  	s2 =	sshrl.u32 s0, $0x2  }
.LBB2_57:
0x2bb: {  	s0 =	simm.s32 $0x7  }
0x2bc: {  	_ =	swait.ge [sflag:s0], s2  }
0x2bd: {  	s1 =	ssub.s32 $0x0, s2;
	[sflag:s0] =	ssyncset.done $0x0  }
0x2be: {  	[sflag:s0] =	ssyncadd.s32 s1  }
0x2bf: {  	[sflag:s0] =	ssyncpa.u1 $0x1  }
.LBB2_58:
0x2c0: {  	_ =	sfence;
	s0 =	simm.s32 $0x1  }
0x2c1: {  	[sflag:s0] =	ssyncpa.u1 $0x1  }
0x2c2: {  	_ =	strace $0x9000004A  }
0x2c3: {  	[bflag:$0x2] =	sbarrier.arrive $0xFFFF  }
0x2c4: {  	s0 =	rddreg [dreg:$0x3]  }
0x2c5: {  	s0 =	sadd.s32 @!p0 $0x100000, s0  }
0x2c6: {  	[sflag:s0] =	ssyncadd.tile.s32 @!p0 $0x1;
	_ =	shalt  }
.Lfunc_end2:
_tile_overlayer_lowered:
.L_overlay_start_2:
0x2c7: {  	(tag) =	ssettag $0x2  }
0x2c8: {  	s0 =	rddreg [dreg:$0x0];
	s2 =	stileid.u32  }
0x2c9: {  	s1 =	rddreg [dreg:$0x1];
	p0 =	sne.s32 s2, $0x0  }
0x2ca: {  	s3 =	rddreg [dreg:$0x2];
	[bflag:$0x3] =	sbarrier.arrive $0xFFFF;
	s2 =	simm.s32 @!p0 $0x1C01  }
0x2cb: {  	[timem:s3], [sflag:s2] =	dma.local @!p0 [hbm:s0], s1  }
0x2cc: {  	s0 =	simm.s32 @!p0 $0x1  }
0x2cd: {  	_ =	swait.ge @!p0 [sflag:s0], s1  }
0x2ce: {  	s1 =	ssub.s32 @!p0 $0x0, s1;
	[sflag:s0] =	ssyncset.done @!p0 $0x0  }
0x2cf: {  	[sflag:s0] =	ssyncadd.s32 @!p0 s1  }
0x2d0: {  	[bflag:$0x3] =	sbarrier.arrive $0xFFFF  }
0x2d1: {  	_ =	shalt  }

</sc_bundles>
